<compile_context>
chip_gen: v7x
topology: tpu7x:2x2x1
jax: 0.10.2.dev20260603
libtpu: 0.0.44.dev20260713+nightly
codegen_flags: <defaults>
</compile_context>

<pallas_src>
import functools

import jax
import jax.numpy as jnp
from jax import lax
from jax.experimental import pallas as pl
from jax.experimental.pallas import tpu as pltpu
from jax.experimental.pallas import tpu_sc as plsc

_N_UNIT = 100
_MAX_UNIT_SIZE = 800
_TABLE = _N_UNIT * _MAX_UNIT_SIZE
_B = 16384
_NC = 2
_NS = 16
_NW = _NC * _NS
_COLS_W = _B // _NW
_L = 16
_CH = 128
_NCH = _COLS_W // _CH
_R1 = 48
_R2 = _N_UNIT - _R1
_RB = 56
_SPLIT = _R1 * _MAX_UNIT_SIZE


def _body(nums_hbm, table_hbm, out_hbm, tv1, tv2, xb, ob, shared,
          sin0, sin1, sout0, sout1, semt):
    cid = lax.axis_index("c")
    sid = lax.axis_index("s")
    wid = sid * _NC + cid
    base = wid * _COLS_W

    sins = (sin0, sin1)
    souts = (sout0, sout1)
    rows = (_R1, _R2)

    def in_slice(phase, cc, nr):
        return nums_hbm.at[
            pl.ds(phase * _R1, nr), pl.ds(base + cc * _CH, _CH)
        ]

    def out_slice(phase, cc, nr):
        return out_hbm.at[
            pl.ds(phase * _R1, nr), pl.ds(base + cc * _CH, _CH)
        ]

    pltpu.async_copy(in_slice(0, 0, _R1), xb.at[0, pl.ds(0, _R1), :], sin0)
    pltpu.async_copy(in_slice(0, 1, _R1), xb.at[1, pl.ds(0, _R1), :], sin1)

    @pl.when(sid == 0)
    def _():
        pltpu.sync_copy(table_hbm, shared)

    plsc.subcore_barrier()
    pltpu.sync_copy(shared.at[pl.ds(0, _SPLIT)], tv1)
    h2 = pltpu.async_copy(shared.at[pl.ds(_SPLIT, _TABLE - _SPLIT)], tv2, semt)

    iota = lax.broadcasted_iota(jnp.int32, (_L,), 0)
    zeros = jnp.zeros((_L,), jnp.float32)

    def zero_mask_slots(tv, nr):
        for g in range((nr + _L - 1) // _L):
            unit = iota + g * _L
            plsc.store_scatter(
                tv, [unit * _MAX_UNIT_SIZE], zeros, mask=unit < nr
            )

    zero_mask_slots(tv1, _R1)

    def run_phase(phase, tv, nr):
        def chunk(cc, carry):
            s = lax.rem(cc, 2)
            xs = xb.at[s, pl.ds(0, nr), :]
            os_ = ob.at[s, pl.ds(0, nr), :]

            @pl.when(s == 0)
            def _():
                pltpu.make_async_copy(in_slice(phase, cc, nr), xs, sin0).wait()

            @pl.when(s == 1)
            def _():
                pltpu.make_async_copy(in_slice(phase, cc, nr), xs, sin1).wait()

            @pl.when(cc >= 2)
            def _():
                @pl.when(s == 0)
                def _():
                    pltpu.make_async_copy(
                        os_, out_slice(phase, cc - 2, nr), sout0
                    ).wait()

                @pl.when(s == 1)
                def _():
                    pltpu.make_async_copy(
                        os_, out_slice(phase, cc - 2, nr), sout1
                    ).wait()

            @plsc.parallel_loop(0, nr, 1, unroll=2)
            def _(r):
                shift = r * _MAX_UNIT_SIZE
                for k in range(_CH // _L):
                    off = pl.ds(k * _L, _L)
                    idx = xb[s, r, off] + shift
                    v = plsc.load_gather(tv, [idx])
                    ob[s, r, off] = jnp.maximum(v, 0.0)

            @pl.when(s == 0)
            def _():
                pltpu.async_copy(os_, out_slice(phase, cc, nr), sout0)

            @pl.when(s == 1)
            def _():
                pltpu.async_copy(os_, out_slice(phase, cc, nr), sout1)

            @pl.when(cc + 2 < _NCH)
            def _():
                @pl.when(s == 0)
                def _():
                    pltpu.async_copy(in_slice(phase, cc + 2, nr), xs, sin0)

                @pl.when(s == 1)
                def _():
                    pltpu.async_copy(in_slice(phase, cc + 2, nr), xs, sin1)

            return carry

        lax.fori_loop(0, _NCH, chunk, 0)
        for cc in (_NCH - 2, _NCH - 1):
            s = cc % 2
            pltpu.make_async_copy(
                ob.at[s, pl.ds(0, nr), :],
                out_slice(phase, cc, nr),
                souts[s],
            ).wait()

    run_phase(0, tv1, _R1)

    h2.wait()
    zero_mask_slots(tv2, _R2)
    pltpu.async_copy(in_slice(1, 0, _R2), xb.at[0, pl.ds(0, _R2), :], sin0)
    pltpu.async_copy(in_slice(1, 1, _R2), xb.at[1, pl.ds(0, _R2), :], sin1)
    run_phase(1, tv2, _R2)


@jax.jit
def _run(nums_t, table_flat):
    mesh = plsc.VectorSubcoreMesh(core_axis_name="c", subcore_axis_name="s")
    return pl.kernel(
        _body,
        mesh=mesh,
        compiler_params=pltpu.CompilerParams(needs_layout_passes=False),
        out_type=jax.ShapeDtypeStruct((_N_UNIT, _B), jnp.float32),
        scratch_types=[
            pltpu.VMEM((_SPLIT,), jnp.float32),
            pltpu.VMEM((_TABLE - _SPLIT,), jnp.float32),
            pltpu.VMEM((2, _RB, _CH), jnp.int32),
            pltpu.VMEM((2, _RB, _CH), jnp.float32),
            pltpu.VMEM_SHARED((_TABLE,), jnp.float32),
            pltpu.SemaphoreType.DMA,
            pltpu.SemaphoreType.DMA,
            pltpu.SemaphoreType.DMA,
            pltpu.SemaphoreType.DMA,
            pltpu.SemaphoreType.DMA,
        ],
    )(nums_t, table_flat)


def kernel(unit_nums, embed_weight):
    out_t = _run(unit_nums.T, embed_weight[:, 0])
    return out_t.T

# --- scband reference (transcript-rebuilt; emitter-appended) ---
"""Pipeline reference for scband-headcount-effect-12515534700705 (READ-ONLY COPY).

The authoritative reference and input builder live on the scoring server;
editing this copy changes nothing except your own understanding.
"""

import jax, jax.numpy as jnp
import numpy as np

N_UNIT = 100
MAX_UNIT_SIZE = 800

def setup_inputs(seed: int = 0) -> dict:
    key = jax.random.key(seed)
    k1, k2 = jax.random.split(key)
    unit_nums = jax.random.randint(k1, (16384, N_UNIT), 0, MAX_UNIT_SIZE, dtype=jnp.int32)
    # nn.Embedding(max_unit_size * n_unit, 1), init'd to 0.5 in the original; add
    # small noise so the lookup is nontrivial while staying near the original init.
    embed_weight = 0.5 + 0.1 * jax.random.normal(k2, (MAX_UNIT_SIZE * N_UNIT, 1), dtype=jnp.float32)
    return {"unit_nums": unit_nums, "embed_weight": embed_weight}

def reference(unit_nums, embed_weight):
    # mode == 3 path of HeadcountEffect.forward
    mask = (unit_nums != 0).astype(jnp.float32)
    shift = (jnp.arange(N_UNIT, dtype=unit_nums.dtype) * MAX_UNIT_SIZE)[None, :]
    idx = unit_nums + shift  # [B, n_unit], values in [0, n_unit*max_unit_size)
    num_effect = jnp.take(embed_weight, idx, axis=0).squeeze(-1)  # [B, n_unit]
    num_effect = jax.nn.relu(num_effect) * mask
    return num_effect

if __name__ == "__main__":
    import jax
    _d = setup_inputs()
    print(jax.jit(kernel)(*tuple(_d.values())))

</pallas_src>

<mosaic_0001>
#map = affine_map<(d0, d1) -> (0, 0)>
#map1 = affine_map<(d0, d1) -> (0)>
module attributes {stable_mosaic.version = 14 : i64} {
  func.func @_body(%arg0: i32, %arg1: i32, %arg2: memref<100x16384xi32, #tpu.memory_space<hbm>>, %arg3: memref<80000xf32, #tpu.memory_space<hbm>>, %arg4: memref<100x16384xf32, #tpu.memory_space<hbm>>, %arg5: memref<38400xf32, #tpu.memory_space<vmem>>, %arg6: memref<41600xf32, #tpu.memory_space<vmem>>, %arg7: memref<2x56x128xi32, #tpu.memory_space<vmem>>, %arg8: memref<2x56x128xf32, #tpu.memory_space<vmem>>, %arg9: memref<80000xf32, #tpu.memory_space<vmem_shared>>, %arg10: memref<!tpu.dma_semaphore, #tpu.memory_space<semaphore_mem>>, %arg11: memref<!tpu.dma_semaphore, #tpu.memory_space<semaphore_mem>>, %arg12: memref<!tpu.dma_semaphore, #tpu.memory_space<semaphore_mem>>, %arg13: memref<!tpu.dma_semaphore, #tpu.memory_space<semaphore_mem>>, %arg14: memref<!tpu.dma_semaphore, #tpu.memory_space<semaphore_mem>>) attributes {dimension_semantics = [#tpu.dimension_semantics<core_parallel>, #tpu.dimension_semantics<subcore_parallel>], iteration_bounds = array<i64: 2, 16>, scalar_prefetch = 0 : i64, scratch_operands = 10 : i64, tpu.core_type = #tpu.core_type<sc_vector_subcore>, window_params = [{transform_indices = #map}, {transform_indices = #map1}, {transform_indices = #map}]} {
    %mul3A = arith.constant 2 : i32
    %mul3A_0 = arith.muli %arg1, %mul3A : i32
    %add3A = arith.addi %mul3A_0, %arg0 : i32
    %mul3A_1 = arith.constant 512 : i32
    %mul3A_2 = arith.muli %add3A, %mul3A_1 : i32
    %add3A_3 = arith.constant 0 : i32
    %add3A_4 = arith.addi %mul3A_2, %add3A_3 : i32
    %dma_start3A = arith.constant 0 : i32
    %dma_start3A_5 = arith.constant 0 : i32
    %dma_start3A_6 = arith.constant 0 : i32
    %dma_start3A_7 = tpu.memref_slice %arg7[%dma_start3A, %dma_start3A_5, %dma_start3A_6] : memref<2x56x128xi32, #tpu.memory_space<vmem>> -> memref<1x48x128xi32, #tpu.memory_space<vmem>>
    %dma_start3A_8 = tpu.memref_squeeze %dma_start3A_7 : memref<1x48x128xi32, #tpu.memory_space<vmem>> -> memref<48x128xi32, #tpu.memory_space<vmem>>
    %dma_start3A_9 = arith.constant 0 : i32
    %dma_start3A_10 = tpu.memref_slice %arg2[%dma_start3A_9, %add3A_4] : memref<100x16384xi32, #tpu.memory_space<hbm>> -> memref<48x128xi32, #tpu.memory_space<hbm>>
    %dma_start3A_11 = arith.constant 0 : i32
    %dma_start3A_12 = arith.constant 0 : i32
    %dma_start3A_13 = tpu.memref_slice %arg7[%dma_start3A, %dma_start3A_11, %dma_start3A_12] : memref<2x56x128xi32, #tpu.memory_space<vmem>> -> memref<1x48x128xi32, #tpu.memory_space<vmem>>
    %dma_start3A_14 = tpu.memref_squeeze %dma_start3A_13 : memref<1x48x128xi32, #tpu.memory_space<vmem>> -> memref<48x128xi32, #tpu.memory_space<vmem>>
    %dma_start3A_15 = arith.constant 0 : i32
    %dma_start3A_16 = tpu.memref_slice %arg2[%dma_start3A_15, %add3A_4] : memref<100x16384xi32, #tpu.memory_space<hbm>> -> memref<48x128xi32, #tpu.memory_space<hbm>>
    tpu.enqueue_dma source(%dma_start3A_16 : memref<48x128xi32, #tpu.memory_space<hbm>>) target(%dma_start3A_14 : memref<48x128xi32, #tpu.memory_space<vmem>>) target_semaphore(%arg10 : memref<!tpu.dma_semaphore, #tpu.memory_space<semaphore_mem>>)
    %add3A_17 = arith.constant 128 : i32
    %add3A_18 = arith.addi %mul3A_2, %add3A_17 : i32
    %dma_start3A_19 = arith.constant 1 : i32
    %dma_start3A_20 = arith.constant 0 : i32
    %dma_start3A_21 = arith.constant 0 : i32
    %dma_start3A_22 = tpu.memref_slice %arg7[%dma_start3A_19, %dma_start3A_20, %dma_start3A_21] : memref<2x56x128xi32, #tpu.memory_space<vmem>> -> memref<1x48x128xi32, #tpu.memory_space<vmem>>
    %dma_start3A_23 = tpu.memref_squeeze %dma_start3A_22 : memref<1x48x128xi32, #tpu.memory_space<vmem>> -> memref<48x128xi32, #tpu.memory_space<vmem>>
    %dma_start3A_24 = arith.constant 0 : i32
    %dma_start3A_25 = tpu.memref_slice %arg2[%dma_start3A_24, %add3A_18] : memref<100x16384xi32, #tpu.memory_space<hbm>> -> memref<48x128xi32, #tpu.memory_space<hbm>>
    %dma_start3A_26 = arith.constant 0 : i32
    %dma_start3A_27 = arith.constant 0 : i32
    %dma_start3A_28 = tpu.memref_slice %arg7[%dma_start3A_19, %dma_start3A_26, %dma_start3A_27] : memref<2x56x128xi32, #tpu.memory_space<vmem>> -> memref<1x48x128xi32, #tpu.memory_space<vmem>>
    %dma_start3A_29 = tpu.memref_squeeze %dma_start3A_28 : memref<1x48x128xi32, #tpu.memory_space<vmem>> -> memref<48x128xi32, #tpu.memory_space<vmem>>
    %dma_start3A_30 = arith.constant 0 : i32
    %dma_start3A_31 = tpu.memref_slice %arg2[%dma_start3A_30, %add3A_18] : memref<100x16384xi32, #tpu.memory_space<hbm>> -> memref<48x128xi32, #tpu.memory_space<hbm>>
    tpu.enqueue_dma source(%dma_start3A_31 : memref<48x128xi32, #tpu.memory_space<hbm>>) target(%dma_start3A_29 : memref<48x128xi32, #tpu.memory_space<vmem>>) target_semaphore(%arg11 : memref<!tpu.dma_semaphore, #tpu.memory_space<semaphore_mem>>)
    %eq3A = arith.constant 0 : i32
    %eq3A_32 = arith.cmpi eq, %arg1, %eq3A : i32
    %convert_element_type3A = arith.extui %eq3A_32 : i1 to i32
    %cond3A = arith.constant 0 : i32
    %cond3A_33 = arith.cmpi ne, %convert_element_type3A, %cond3A : i32
    scf.if %cond3A_33 {
      "tpu.region"() ({
        %run_scoped3A = tpu.sem_alloc : memref<!tpu.dma_semaphore, #tpu.memory_space<semaphore_mem>>
        tpu.enqueue_dma source(%arg3 : memref<80000xf32, #tpu.memory_space<hbm>>) target(%arg9 : memref<80000xf32, #tpu.memory_space<vmem_shared>>) target_semaphore(%run_scoped3A : memref<!tpu.dma_semaphore, #tpu.memory_space<semaphore_mem>>)
        tpu.wait_dma2 semaphore(%run_scoped3A : memref<!tpu.dma_semaphore, #tpu.memory_space<semaphore_mem>>) src(%arg3 : memref<80000xf32, #tpu.memory_space<hbm>>) dst(%arg9 : memref<80000xf32, #tpu.memory_space<vmem_shared>>)
        tpu.yield
      }) : () -> ()
    } else {
    }
    %barrier3A = arith.constant 0 : index
    tpu.barrier barrier_id(%barrier3A)
    "tpu.region"() ({
      %run_scoped3A = tpu.sem_alloc : memref<!tpu.dma_semaphore, #tpu.memory_space<semaphore_mem>>
      %dma_start3A_205 = arith.constant 0 : i32
      %dma_start3A_206 = tpu.memref_slice %arg9[%dma_start3A_205] : memref<80000xf32, #tpu.memory_space<vmem_shared>> -> memref<38400xf32, #tpu.memory_space<vmem_shared>>
      %dma_start3A_207 = arith.constant 0 : i32
      %dma_start3A_208 = tpu.memref_slice %arg9[%dma_start3A_207] : memref<80000xf32, #tpu.memory_space<vmem_shared>> -> memref<38400xf32, #tpu.memory_space<vmem_shared>>
      tpu.enqueue_dma source(%dma_start3A_208 : memref<38400xf32, #tpu.memory_space<vmem_shared>>) target(%arg5 : memref<38400xf32, #tpu.memory_space<vmem>>) target_semaphore(%run_scoped3A : memref<!tpu.dma_semaphore, #tpu.memory_space<semaphore_mem>>)
      %dma_wait3A_209 = arith.constant 0 : i32
      %dma_wait3A_210 = tpu.memref_slice %arg9[%dma_wait3A_209] : memref<80000xf32, #tpu.memory_space<vmem_shared>> -> memref<38400xf32, #tpu.memory_space<vmem_shared>>
      %dma_wait3A_211 = arith.constant 0 : i32
      %dma_wait3A_212 = tpu.memref_slice %arg9[%dma_wait3A_211] : memref<80000xf32, #tpu.memory_space<vmem_shared>> -> memref<38400xf32, #tpu.memory_space<vmem_shared>>
      tpu.wait_dma2 semaphore(%run_scoped3A : memref<!tpu.dma_semaphore, #tpu.memory_space<semaphore_mem>>) src(%dma_wait3A_212 : memref<38400xf32, #tpu.memory_space<vmem_shared>>) dst(%arg5 : memref<38400xf32, #tpu.memory_space<vmem>>)
      tpu.yield
    }) : () -> ()
    %dma_start3A_34 = arith.constant 38400 : i32
    %dma_start3A_35 = tpu.memref_slice %arg9[%dma_start3A_34] : memref<80000xf32, #tpu.memory_space<vmem_shared>> -> memref<41600xf32, #tpu.memory_space<vmem_shared>>
    %dma_start3A_36 = arith.constant 38400 : i32
    %dma_start3A_37 = tpu.memref_slice %arg9[%dma_start3A_36] : memref<80000xf32, #tpu.memory_space<vmem_shared>> -> memref<41600xf32, #tpu.memory_space<vmem_shared>>
    tpu.enqueue_dma source(%dma_start3A_37 : memref<41600xf32, #tpu.memory_space<vmem_shared>>) target(%arg6 : memref<41600xf32, #tpu.memory_space<vmem>>) target_semaphore(%arg14 : memref<!tpu.dma_semaphore, #tpu.memory_space<semaphore_mem>>)
    %iota3A = tpu.iota {dimensions = array<i32: 0>} : vector<16xi32>
    %broadcast_in_dim3A = arith.constant 0.000000e+00 : f32
    %broadcast_in_dim3A_38 = vector.broadcast %broadcast_in_dim3A : f32 to vector<16xf32>
    %add3A_39 = arith.constant 0 : i32
    %add3A_40 = vector.broadcast %add3A_39 : i32 to vector<16xi32>
    %add3A_41 = arith.addi %iota3A, %add3A_40 : vector<16xi32>
    %mul3A_42 = arith.constant 800 : i32
    %mul3A_43 = vector.broadcast %mul3A_42 : i32 to vector<16xi32>
    %mul3A_44 = arith.muli %add3A_41, %mul3A_43 : vector<16xi32>
    %lt3A = arith.constant 48 : i32
    %lt3A_45 = vector.broadcast %lt3A : i32 to vector<16xi32>
    %lt3A_46 = arith.cmpi slt, %add3A_41, %lt3A_45 : vector<16xi32>
    tpu.vector_store_idx %arg5[%mul3A_44], %broadcast_in_dim3A_38 masked %lt3A_46 : memref<38400xf32, #tpu.memory_space<vmem>>[vector<16xi32>], vector<16xf32>, vector<16xi1>
    %add3A_47 = arith.constant 16 : i32
    %add3A_48 = vector.broadcast %add3A_47 : i32 to vector<16xi32>
    %add3A_49 = arith.addi %iota3A, %add3A_48 : vector<16xi32>
    %mul3A_50 = arith.constant 800 : i32
    %mul3A_51 = vector.broadcast %mul3A_50 : i32 to vector<16xi32>
    %mul3A_52 = arith.muli %add3A_49, %mul3A_51 : vector<16xi32>
    %lt3A_53 = arith.constant 48 : i32
    %lt3A_54 = vector.broadcast %lt3A_53 : i32 to vector<16xi32>
    %lt3A_55 = arith.cmpi slt, %add3A_49, %lt3A_54 : vector<16xi32>
    tpu.vector_store_idx %arg5[%mul3A_52], %broadcast_in_dim3A_38 masked %lt3A_55 : memref<38400xf32, #tpu.memory_space<vmem>>[vector<16xi32>], vector<16xf32>, vector<16xi1>
    %add3A_56 = arith.constant 32 : i32
    %add3A_57 = vector.broadcast %add3A_56 : i32 to vector<16xi32>
    %add3A_58 = arith.addi %iota3A, %add3A_57 : vector<16xi32>
    %mul3A_59 = arith.constant 800 : i32
    %mul3A_60 = vector.broadcast %mul3A_59 : i32 to vector<16xi32>
    %mul3A_61 = arith.muli %add3A_58, %mul3A_60 : vector<16xi32>
    %lt3A_62 = arith.constant 48 : i32
    %lt3A_63 = vector.broadcast %lt3A_62 : i32 to vector<16xi32>
    %lt3A_64 = arith.cmpi slt, %add3A_58, %lt3A_63 : vector<16xi32>
    tpu.vector_store_idx %arg5[%mul3A_61], %broadcast_in_dim3A_38 masked %lt3A_64 : memref<38400xf32, #tpu.memory_space<vmem>>[vector<16xi32>], vector<16xf32>, vector<16xi1>
    %scan3A = arith.constant 0 : i32
    %scan3A_65 = arith.constant 0 : i32
    %scan3A_66 = arith.constant 4 : i32
    %scan3A_67 = arith.addi %scan3A_65, %scan3A_66 : i32
    %scan3A_68 = arith.constant 1 : i32
    scf.for %scan3A_205 = %scan3A_65 to %scan3A_67 step %scan3A_68  : i32 {
      %rem3A = arith.constant 2 : i32
      %rem3A_206 = arith.remsi %scan3A_205, %rem3A : i32
      %eq3A_207 = arith.constant 0 : i32
      %eq3A_208 = arith.cmpi eq, %rem3A_206, %eq3A_207 : i32
      %convert_element_type3A_209 = arith.extui %eq3A_208 : i1 to i32
      %cond3A_210 = arith.constant 0 : i32
      %cond3A_211 = arith.cmpi ne, %convert_element_type3A_209, %cond3A_210 : i32
      scf.if %cond3A_211 {
        %mul3A_240 = arith.constant 128 : i32
        %mul3A_241 = arith.muli %scan3A_205, %mul3A_240 : i32
        %add3A_242 = arith.addi %mul3A_2, %mul3A_241 : i32
        %dma_wait3A_243 = arith.constant 0 : i32
        %dma_wait3A_244 = arith.constant 0 : i32
        %dma_wait3A_245 = tpu.memref_slice %arg7[%rem3A_206, %dma_wait3A_243, %dma_wait3A_244] : memref<2x56x128xi32, #tpu.memory_space<vmem>> -> memref<1x48x128xi32, #tpu.memory_space<vmem>>
        %dma_wait3A_246 = tpu.memref_squeeze %dma_wait3A_245 : memref<1x48x128xi32, #tpu.memory_space<vmem>> -> memref<48x128xi32, #tpu.memory_space<vmem>>
        %dma_wait3A_247 = arith.constant 0 : i32
        %dma_wait3A_248 = tpu.memref_slice %arg2[%dma_wait3A_247, %add3A_242] : memref<100x16384xi32, #tpu.memory_space<hbm>> -> memref<48x128xi32, #tpu.memory_space<hbm>>
        %dma_wait3A_249 = arith.constant 0 : i32
        %dma_wait3A_250 = arith.constant 0 : i32
        %dma_wait3A_251 = tpu.memref_slice %arg7[%rem3A_206, %dma_wait3A_249, %dma_wait3A_250] : memref<2x56x128xi32, #tpu.memory_space<vmem>> -> memref<1x48x128xi32, #tpu.memory_space<vmem>>
        %dma_wait3A_252 = tpu.memref_squeeze %dma_wait3A_251 : memref<1x48x128xi32, #tpu.memory_space<vmem>> -> memref<48x128xi32, #tpu.memory_space<vmem>>
        %dma_wait3A_253 = arith.constant 0 : i32
        %dma_wait3A_254 = tpu.memref_slice %arg2[%dma_wait3A_253, %add3A_242] : memref<100x16384xi32, #tpu.memory_space<hbm>> -> memref<48x128xi32, #tpu.memory_space<hbm>>
        tpu.wait_dma2 semaphore(%arg10 : memref<!tpu.dma_semaphore, #tpu.memory_space<semaphore_mem>>) src(%dma_wait3A_254 : memref<48x128xi32, #tpu.memory_space<hbm>>) dst(%dma_wait3A_252 : memref<48x128xi32, #tpu.memory_space<vmem>>)
      } else {
      }
      %eq3A_212 = arith.constant 1 : i32
      %eq3A_213 = arith.cmpi eq, %rem3A_206, %eq3A_212 : i32
      %convert_element_type3A_214 = arith.extui %eq3A_213 : i1 to i32
      %cond3A_215 = arith.constant 0 : i32
      %cond3A_216 = arith.cmpi ne, %convert_element_type3A_214, %cond3A_215 : i32
      scf.if %cond3A_216 {
        %mul3A_240 = arith.constant 128 : i32
        %mul3A_241 = arith.muli %scan3A_205, %mul3A_240 : i32
        %add3A_242 = arith.addi %mul3A_2, %mul3A_241 : i32
        %dma_wait3A_243 = arith.constant 0 : i32
        %dma_wait3A_244 = arith.constant 0 : i32
        %dma_wait3A_245 = tpu.memref_slice %arg7[%rem3A_206, %dma_wait3A_243, %dma_wait3A_244] : memref<2x56x128xi32, #tpu.memory_space<vmem>> -> memref<1x48x128xi32, #tpu.memory_space<vmem>>
        %dma_wait3A_246 = tpu.memref_squeeze %dma_wait3A_245 : memref<1x48x128xi32, #tpu.memory_space<vmem>> -> memref<48x128xi32, #tpu.memory_space<vmem>>
        %dma_wait3A_247 = arith.constant 0 : i32
        %dma_wait3A_248 = tpu.memref_slice %arg2[%dma_wait3A_247, %add3A_242] : memref<100x16384xi32, #tpu.memory_space<hbm>> -> memref<48x128xi32, #tpu.memory_space<hbm>>
        %dma_wait3A_249 = arith.constant 0 : i32
        %dma_wait3A_250 = arith.constant 0 : i32
        %dma_wait3A_251 = tpu.memref_slice %arg7[%rem3A_206, %dma_wait3A_249, %dma_wait3A_250] : memref<2x56x128xi32, #tpu.memory_space<vmem>> -> memref<1x48x128xi32, #tpu.memory_space<vmem>>
        %dma_wait3A_252 = tpu.memref_squeeze %dma_wait3A_251 : memref<1x48x128xi32, #tpu.memory_space<vmem>> -> memref<48x128xi32, #tpu.memory_space<vmem>>
        %dma_wait3A_253 = arith.constant 0 : i32
        %dma_wait3A_254 = tpu.memref_slice %arg2[%dma_wait3A_253, %add3A_242] : memref<100x16384xi32, #tpu.memory_space<hbm>> -> memref<48x128xi32, #tpu.memory_space<hbm>>
        tpu.wait_dma2 semaphore(%arg11 : memref<!tpu.dma_semaphore, #tpu.memory_space<semaphore_mem>>) src(%dma_wait3A_254 : memref<48x128xi32, #tpu.memory_space<hbm>>) dst(%dma_wait3A_252 : memref<48x128xi32, #tpu.memory_space<vmem>>)
      } else {
      }
      %ge3A = arith.constant 2 : i32
      %ge3A_217 = arith.cmpi sge, %scan3A_205, %ge3A : i32
      %convert_element_type3A_218 = arith.extui %ge3A_217 : i1 to i32
      %cond3A_219 = arith.constant 0 : i32
      %cond3A_220 = arith.cmpi ne, %convert_element_type3A_218, %cond3A_219 : i32
      scf.if %cond3A_220 {
        %eq3A_240 = arith.constant 0 : i32
        %eq3A_241 = arith.cmpi eq, %rem3A_206, %eq3A_240 : i32
        %convert_element_type3A_242 = arith.extui %eq3A_241 : i1 to i32
        %cond3A_243 = arith.constant 0 : i32
        %cond3A_244 = arith.cmpi ne, %convert_element_type3A_242, %cond3A_243 : i32
        scf.if %cond3A_244 {
          %sub3A = arith.constant 2 : i32
          %sub3A_250 = arith.subi %scan3A_205, %sub3A : i32
          %mul3A_251 = arith.constant 128 : i32
          %mul3A_252 = arith.muli %sub3A_250, %mul3A_251 : i32
          %add3A_253 = arith.addi %mul3A_2, %mul3A_252 : i32
          %dma_wait3A_254 = arith.constant 0 : i32
          %dma_wait3A_255 = arith.constant 0 : i32
          %dma_wait3A_256 = tpu.memref_slice %arg8[%rem3A_206, %dma_wait3A_254, %dma_wait3A_255] : memref<2x56x128xf32, #tpu.memory_space<vmem>> -> memref<1x48x128xf32, #tpu.memory_space<vmem>>
          %dma_wait3A_257 = tpu.memref_squeeze %dma_wait3A_256 : memref<1x48x128xf32, #tpu.memory_space<vmem>> -> memref<48x128xf32, #tpu.memory_space<vmem>>
          %dma_wait3A_258 = arith.constant 0 : i32
          %dma_wait3A_259 = tpu.memref_slice %arg4[%dma_wait3A_258, %add3A_253] : memref<100x16384xf32, #tpu.memory_space<hbm>> -> memref<48x128xf32, #tpu.memory_space<hbm>>
          %dma_wait3A_260 = arith.constant 0 : i32
          %dma_wait3A_261 = tpu.memref_slice %arg4[%dma_wait3A_260, %add3A_253] : memref<100x16384xf32, #tpu.memory_space<hbm>> -> memref<48x128xf32, #tpu.memory_space<hbm>>
          %dma_wait3A_262 = arith.constant 0 : i32
          %dma_wait3A_263 = arith.constant 0 : i32
          %dma_wait3A_264 = tpu.memref_slice %arg8[%rem3A_206, %dma_wait3A_262, %dma_wait3A_263] : memref<2x56x128xf32, #tpu.memory_space<vmem>> -> memref<1x48x128xf32, #tpu.memory_space<vmem>>
          %dma_wait3A_265 = tpu.memref_squeeze %dma_wait3A_264 : memref<1x48x128xf32, #tpu.memory_space<vmem>> -> memref<48x128xf32, #tpu.memory_space<vmem>>
          tpu.wait_dma2 semaphore(%arg12 : memref<!tpu.dma_semaphore, #tpu.memory_space<semaphore_mem>>) src(%dma_wait3A_265 : memref<48x128xf32, #tpu.memory_space<vmem>>) dst(%dma_wait3A_261 : memref<48x128xf32, #tpu.memory_space<hbm>>)
        } else {
        }
        %eq3A_245 = arith.constant 1 : i32
        %eq3A_246 = arith.cmpi eq, %rem3A_206, %eq3A_245 : i32
        %convert_element_type3A_247 = arith.extui %eq3A_246 : i1 to i32
        %cond3A_248 = arith.constant 0 : i32
        %cond3A_249 = arith.cmpi ne, %convert_element_type3A_247, %cond3A_248 : i32
        scf.if %cond3A_249 {
          %sub3A = arith.constant 2 : i32
          %sub3A_250 = arith.subi %scan3A_205, %sub3A : i32
          %mul3A_251 = arith.constant 128 : i32
          %mul3A_252 = arith.muli %sub3A_250, %mul3A_251 : i32
          %add3A_253 = arith.addi %mul3A_2, %mul3A_252 : i32
          %dma_wait3A_254 = arith.constant 0 : i32
          %dma_wait3A_255 = arith.constant 0 : i32
          %dma_wait3A_256 = tpu.memref_slice %arg8[%rem3A_206, %dma_wait3A_254, %dma_wait3A_255] : memref<2x56x128xf32, #tpu.memory_space<vmem>> -> memref<1x48x128xf32, #tpu.memory_space<vmem>>
          %dma_wait3A_257 = tpu.memref_squeeze %dma_wait3A_256 : memref<1x48x128xf32, #tpu.memory_space<vmem>> -> memref<48x128xf32, #tpu.memory_space<vmem>>
          %dma_wait3A_258 = arith.constant 0 : i32
          %dma_wait3A_259 = tpu.memref_slice %arg4[%dma_wait3A_258, %add3A_253] : memref<100x16384xf32, #tpu.memory_space<hbm>> -> memref<48x128xf32, #tpu.memory_space<hbm>>
          %dma_wait3A_260 = arith.constant 0 : i32
          %dma_wait3A_261 = tpu.memref_slice %arg4[%dma_wait3A_260, %add3A_253] : memref<100x16384xf32, #tpu.memory_space<hbm>> -> memref<48x128xf32, #tpu.memory_space<hbm>>
          %dma_wait3A_262 = arith.constant 0 : i32
          %dma_wait3A_263 = arith.constant 0 : i32
          %dma_wait3A_264 = tpu.memref_slice %arg8[%rem3A_206, %dma_wait3A_262, %dma_wait3A_263] : memref<2x56x128xf32, #tpu.memory_space<vmem>> -> memref<1x48x128xf32, #tpu.memory_space<vmem>>
          %dma_wait3A_265 = tpu.memref_squeeze %dma_wait3A_264 : memref<1x48x128xf32, #tpu.memory_space<vmem>> -> memref<48x128xf32, #tpu.memory_space<vmem>>
          tpu.wait_dma2 semaphore(%arg13 : memref<!tpu.dma_semaphore, #tpu.memory_space<semaphore_mem>>) src(%dma_wait3A_265 : memref<48x128xf32, #tpu.memory_space<vmem>>) dst(%dma_wait3A_261 : memref<48x128xf32, #tpu.memory_space<hbm>>)
        } else {
        }
      } else {
      }
      %parallel_loop3A = arith.constant 0 : i32
      %parallel_loop3A_221 = arith.constant 48 : i32
      %parallel_loop3A_222 = arith.constant 1 : i32
      scf.for %parallel_loop3A_240 = %parallel_loop3A to %parallel_loop3A_221 step %parallel_loop3A_222  : i32 {
        %parallel_loop3A_241 = arith.constant 800 : i32
        %parallel_loop3A_242 = arith.muli %parallel_loop3A_240, %parallel_loop3A_241 : i32
        %parallel_loop3A_243 = arith.index_cast %rem3A_206 : i32 to index
        %parallel_loop3A_244 = arith.index_cast %parallel_loop3A_240 : i32 to index
        %parallel_loop3A_245 = arith.constant 0 : index
        %parallel_loop3A_246 = tpu.vector_load %arg7[%parallel_loop3A_243, %parallel_loop3A_244, %parallel_loop3A_245] {strides = array<i32>} : memref<2x56x128xi32, #tpu.memory_space<vmem>>, vector<16xi32>,
        %parallel_loop3A_247 = vector.broadcast %parallel_loop3A_242 : i32 to vector<16xi32>
        %parallel_loop3A_248 = arith.addi %parallel_loop3A_246, %parallel_loop3A_247 : vector<16xi32>
        %parallel_loop3A_249 = tpu.vector_load_idx %arg5[%parallel_loop3A_248] : memref<38400xf32, #tpu.memory_space<vmem>>[vector<16xi32>], vector<16xf32>,
        %parallel_loop3A_250 = arith.constant 0.000000e+00 : f32
        %parallel_loop3A_251 = vector.broadcast %parallel_loop3A_250 : f32 to vector<16xf32>
        %parallel_loop3A_252 = arith.maximumf %parallel_loop3A_249, %parallel_loop3A_251 : vector<16xf32>
        %parallel_loop3A_253 = arith.index_cast %rem3A_206 : i32 to index
        %parallel_loop3A_254 = arith.index_cast %parallel_loop3A_240 : i32 to index
        %parallel_loop3A_255 = arith.constant 0 : index
        %parallel_loop3A_256 = tpu.vector_load %arg8[%parallel_loop3A_253, %parallel_loop3A_254, %parallel_loop3A_255] {strides = array<i32>} : memref<2x56x128xf32, #tpu.memory_space<vmem>>, vector<16xf32>,
        tpu.vector_store %arg8[%parallel_loop3A_253, %parallel_loop3A_254, %parallel_loop3A_255], %parallel_loop3A_252 {strides = array<i32>} : memref<2x56x128xf32, #tpu.memory_space<vmem>>, vector<16xf32>,
        %parallel_loop3A_257 = arith.index_cast %rem3A_206 : i32 to index
        %parallel_loop3A_258 = arith.index_cast %parallel_loop3A_240 : i32 to index
        %parallel_loop3A_259 = arith.constant 16 : index
        %parallel_loop3A_260 = tpu.vector_load %arg7[%parallel_loop3A_257, %parallel_loop3A_258, %parallel_loop3A_259] {strides = array<i32>} : memref<2x56x128xi32, #tpu.memory_space<vmem>>, vector<16xi32>,
        %parallel_loop3A_261 = vector.broadcast %parallel_loop3A_242 : i32 to vector<16xi32>
        %parallel_loop3A_262 = arith.addi %parallel_loop3A_260, %parallel_loop3A_261 : vector<16xi32>
        %parallel_loop3A_263 = tpu.vector_load_idx %arg5[%parallel_loop3A_262] : memref<38400xf32, #tpu.memory_space<vmem>>[vector<16xi32>], vector<16xf32>,
        %parallel_loop3A_264 = arith.constant 0.000000e+00 : f32
        %parallel_loop3A_265 = vector.broadcast %parallel_loop3A_264 : f32 to vector<16xf32>
        %parallel_loop3A_266 = arith.maximumf %parallel_loop3A_263, %parallel_loop3A_265 : vector<16xf32>
        %parallel_loop3A_267 = arith.index_cast %rem3A_206 : i32 to index
        %parallel_loop3A_268 = arith.index_cast %parallel_loop3A_240 : i32 to index
        %parallel_loop3A_269 = arith.constant 16 : index
        %parallel_loop3A_270 = tpu.vector_load %arg8[%parallel_loop3A_267, %parallel_loop3A_268, %parallel_loop3A_269] {strides = array<i32>} : memref<2x56x128xf32, #tpu.memory_space<vmem>>, vector<16xf32>,
        tpu.vector_store %arg8[%parallel_loop3A_267, %parallel_loop3A_268, %parallel_loop3A_269], %parallel_loop3A_266 {strides = array<i32>} : memref<2x56x128xf32, #tpu.memory_space<vmem>>, vector<16xf32>,
        %parallel_loop3A_271 = arith.index_cast %rem3A_206 : i32 to index
        %parallel_loop3A_272 = arith.index_cast %parallel_loop3A_240 : i32 to index
        %parallel_loop3A_273 = arith.constant 32 : index
        %parallel_loop3A_274 = tpu.vector_load %arg7[%parallel_loop3A_271, %parallel_loop3A_272, %parallel_loop3A_273] {strides = array<i32>} : memref<2x56x128xi32, #tpu.memory_space<vmem>>, vector<16xi32>,
        %parallel_loop3A_275 = vector.broadcast %parallel_loop3A_242 : i32 to vector<16xi32>
        %parallel_loop3A_276 = arith.addi %parallel_loop3A_274, %parallel_loop3A_275 : vector<16xi32>
        %parallel_loop3A_277 = tpu.vector_load_idx %arg5[%parallel_loop3A_276] : memref<38400xf32, #tpu.memory_space<vmem>>[vector<16xi32>], vector<16xf32>,
        %parallel_loop3A_278 = arith.constant 0.000000e+00 : f32
        %parallel_loop3A_279 = vector.broadcast %parallel_loop3A_278 : f32 to vector<16xf32>
        %parallel_loop3A_280 = arith.maximumf %parallel_loop3A_277, %parallel_loop3A_279 : vector<16xf32>
        %parallel_loop3A_281 = arith.index_cast %rem3A_206 : i32 to index
        %parallel_loop3A_282 = arith.index_cast %parallel_loop3A_240 : i32 to index
        %parallel_loop3A_283 = arith.constant 32 : index
        %parallel_loop3A_284 = tpu.vector_load %arg8[%parallel_loop3A_281, %parallel_loop3A_282, %parallel_loop3A_283] {strides = array<i32>} : memref<2x56x128xf32, #tpu.memory_space<vmem>>, vector<16xf32>,
        tpu.vector_store %arg8[%parallel_loop3A_281, %parallel_loop3A_282, %parallel_loop3A_283], %parallel_loop3A_280 {strides = array<i32>} : memref<2x56x128xf32, #tpu.memory_space<vmem>>, vector<16xf32>,
        %parallel_loop3A_285 = arith.index_cast %rem3A_206 : i32 to index
        %parallel_loop3A_286 = arith.index_cast %parallel_loop3A_240 : i32 to index
        %parallel_loop3A_287 = arith.constant 48 : index
        %parallel_loop3A_288 = tpu.vector_load %arg7[%parallel_loop3A_285, %parallel_loop3A_286, %parallel_loop3A_287] {strides = array<i32>} : memref<2x56x128xi32, #tpu.memory_space<vmem>>, vector<16xi32>,
        %parallel_loop3A_289 = vector.broadcast %parallel_loop3A_242 : i32 to vector<16xi32>
        %parallel_loop3A_290 = arith.addi %parallel_loop3A_288, %parallel_loop3A_289 : vector<16xi32>
        %parallel_loop3A_291 = tpu.vector_load_idx %arg5[%parallel_loop3A_290] : memref<38400xf32, #tpu.memory_space<vmem>>[vector<16xi32>], vector<16xf32>,
        %parallel_loop3A_292 = arith.constant 0.000000e+00 : f32
        %parallel_loop3A_293 = vector.broadcast %parallel_loop3A_292 : f32 to vector<16xf32>
        %parallel_loop3A_294 = arith.maximumf %parallel_loop3A_291, %parallel_loop3A_293 : vector<16xf32>
        %parallel_loop3A_295 = arith.index_cast %rem3A_206 : i32 to index
        %parallel_loop3A_296 = arith.index_cast %parallel_loop3A_240 : i32 to index
        %parallel_loop3A_297 = arith.constant 48 : index
        %parallel_loop3A_298 = tpu.vector_load %arg8[%parallel_loop3A_295, %parallel_loop3A_296, %parallel_loop3A_297] {strides = array<i32>} : memref<2x56x128xf32, #tpu.memory_space<vmem>>, vector<16xf32>,
        tpu.vector_store %arg8[%parallel_loop3A_295, %parallel_loop3A_296, %parallel_loop3A_297], %parallel_loop3A_294 {strides = array<i32>} : memref<2x56x128xf32, #tpu.memory_space<vmem>>, vector<16xf32>,
        %parallel_loop3A_299 = arith.index_cast %rem3A_206 : i32 to index
        %parallel_loop3A_300 = arith.index_cast %parallel_loop3A_240 : i32 to index
        %parallel_loop3A_301 = arith.constant 64 : index
        %parallel_loop3A_302 = tpu.vector_load %arg7[%parallel_loop3A_299, %parallel_loop3A_300, %parallel_loop3A_301] {strides = array<i32>} : memref<2x56x128xi32, #tpu.memory_space<vmem>>, vector<16xi32>,
        %parallel_loop3A_303 = vector.broadcast %parallel_loop3A_242 : i32 to vector<16xi32>
        %parallel_loop3A_304 = arith.addi %parallel_loop3A_302, %parallel_loop3A_303 : vector<16xi32>
        %parallel_loop3A_305 = tpu.vector_load_idx %arg5[%parallel_loop3A_304] : memref<38400xf32, #tpu.memory_space<vmem>>[vector<16xi32>], vector<16xf32>,
        %parallel_loop3A_306 = arith.constant 0.000000e+00 : f32
        %parallel_loop3A_307 = vector.broadcast %parallel_loop3A_306 : f32 to vector<16xf32>
        %parallel_loop3A_308 = arith.maximumf %parallel_loop3A_305, %parallel_loop3A_307 : vector<16xf32>
        %parallel_loop3A_309 = arith.index_cast %rem3A_206 : i32 to index
        %parallel_loop3A_310 = arith.index_cast %parallel_loop3A_240 : i32 to index
        %parallel_loop3A_311 = arith.constant 64 : index
        %parallel_loop3A_312 = tpu.vector_load %arg8[%parallel_loop3A_309, %parallel_loop3A_310, %parallel_loop3A_311] {strides = array<i32>} : memref<2x56x128xf32, #tpu.memory_space<vmem>>, vector<16xf32>,
        tpu.vector_store %arg8[%parallel_loop3A_309, %parallel_loop3A_310, %parallel_loop3A_311], %parallel_loop3A_308 {strides = array<i32>} : memref<2x56x128xf32, #tpu.memory_space<vmem>>, vector<16xf32>,
        %parallel_loop3A_313 = arith.index_cast %rem3A_206 : i32 to index
        %parallel_loop3A_314 = arith.index_cast %parallel_loop3A_240 : i32 to index
        %parallel_loop3A_315 = arith.constant 80 : index
        %parallel_loop3A_316 = tpu.vector_load %arg7[%parallel_loop3A_313, %parallel_loop3A_314, %parallel_loop3A_315] {strides = array<i32>} : memref<2x56x128xi32, #tpu.memory_space<vmem>>, vector<16xi32>,
        %parallel_loop3A_317 = vector.broadcast %parallel_loop3A_242 : i32 to vector<16xi32>
        %parallel_loop3A_318 = arith.addi %parallel_loop3A_316, %parallel_loop3A_317 : vector<16xi32>
        %parallel_loop3A_319 = tpu.vector_load_idx %arg5[%parallel_loop3A_318] : memref<38400xf32, #tpu.memory_space<vmem>>[vector<16xi32>], vector<16xf32>,
        %parallel_loop3A_320 = arith.constant 0.000000e+00 : f32
        %parallel_loop3A_321 = vector.broadcast %parallel_loop3A_320 : f32 to vector<16xf32>
        %parallel_loop3A_322 = arith.maximumf %parallel_loop3A_319, %parallel_loop3A_321 : vector<16xf32>
        %parallel_loop3A_323 = arith.index_cast %rem3A_206 : i32 to index
        %parallel_loop3A_324 = arith.index_cast %parallel_loop3A_240 : i32 to index
        %parallel_loop3A_325 = arith.constant 80 : index
        %parallel_loop3A_326 = tpu.vector_load %arg8[%parallel_loop3A_323, %parallel_loop3A_324, %parallel_loop3A_325] {strides = array<i32>} : memref<2x56x128xf32, #tpu.memory_space<vmem>>, vector<16xf32>,
        tpu.vector_store %arg8[%parallel_loop3A_323, %parallel_loop3A_324, %parallel_loop3A_325], %parallel_loop3A_322 {strides = array<i32>} : memref<2x56x128xf32, #tpu.memory_space<vmem>>, vector<16xf32>,
        %parallel_loop3A_327 = arith.index_cast %rem3A_206 : i32 to index
        %parallel_loop3A_328 = arith.index_cast %parallel_loop3A_240 : i32 to index
        %parallel_loop3A_329 = arith.constant 96 : index
        %parallel_loop3A_330 = tpu.vector_load %arg7[%parallel_loop3A_327, %parallel_loop3A_328, %parallel_loop3A_329] {strides = array<i32>} : memref<2x56x128xi32, #tpu.memory_space<vmem>>, vector<16xi32>,
        %parallel_loop3A_331 = vector.broadcast %parallel_loop3A_242 : i32 to vector<16xi32>
        %parallel_loop3A_332 = arith.addi %parallel_loop3A_330, %parallel_loop3A_331 : vector<16xi32>
        %parallel_loop3A_333 = tpu.vector_load_idx %arg5[%parallel_loop3A_332] : memref<38400xf32, #tpu.memory_space<vmem>>[vector<16xi32>], vector<16xf32>,
        %parallel_loop3A_334 = arith.constant 0.000000e+00 : f32
        %parallel_loop3A_335 = vector.broadcast %parallel_loop3A_334 : f32 to vector<16xf32>
        %parallel_loop3A_336 = arith.maximumf %parallel_loop3A_333, %parallel_loop3A_335 : vector<16xf32>
        %parallel_loop3A_337 = arith.index_cast %rem3A_206 : i32 to index
        %parallel_loop3A_338 = arith.index_cast %parallel_loop3A_240 : i32 to index
        %parallel_loop3A_339 = arith.constant 96 : index
        %parallel_loop3A_340 = tpu.vector_load %arg8[%parallel_loop3A_337, %parallel_loop3A_338, %parallel_loop3A_339] {strides = array<i32>} : memref<2x56x128xf32, #tpu.memory_space<vmem>>, vector<16xf32>,
        tpu.vector_store %arg8[%parallel_loop3A_337, %parallel_loop3A_338, %parallel_loop3A_339], %parallel_loop3A_336 {strides = array<i32>} : memref<2x56x128xf32, #tpu.memory_space<vmem>>, vector<16xf32>,
        %parallel_loop3A_341 = arith.index_cast %rem3A_206 : i32 to index
        %parallel_loop3A_342 = arith.index_cast %parallel_loop3A_240 : i32 to index
        %parallel_loop3A_343 = arith.constant 112 : index
        %parallel_loop3A_344 = tpu.vector_load %arg7[%parallel_loop3A_341, %parallel_loop3A_342, %parallel_loop3A_343] {strides = array<i32>} : memref<2x56x128xi32, #tpu.memory_space<vmem>>, vector<16xi32>,
        %parallel_loop3A_345 = vector.broadcast %parallel_loop3A_242 : i32 to vector<16xi32>
        %parallel_loop3A_346 = arith.addi %parallel_loop3A_344, %parallel_loop3A_345 : vector<16xi32>
        %parallel_loop3A_347 = tpu.vector_load_idx %arg5[%parallel_loop3A_346] : memref<38400xf32, #tpu.memory_space<vmem>>[vector<16xi32>], vector<16xf32>,
        %parallel_loop3A_348 = arith.constant 0.000000e+00 : f32
        %parallel_loop3A_349 = vector.broadcast %parallel_loop3A_348 : f32 to vector<16xf32>
        %parallel_loop3A_350 = arith.maximumf %parallel_loop3A_347, %parallel_loop3A_349 : vector<16xf32>
        %parallel_loop3A_351 = arith.index_cast %rem3A_206 : i32 to index
        %parallel_loop3A_352 = arith.index_cast %parallel_loop3A_240 : i32 to index
        %parallel_loop3A_353 = arith.constant 112 : index
        %parallel_loop3A_354 = tpu.vector_load %arg8[%parallel_loop3A_351, %parallel_loop3A_352, %parallel_loop3A_353] {strides = array<i32>} : memref<2x56x128xf32, #tpu.memory_space<vmem>>, vector<16xf32>,
        tpu.vector_store %arg8[%parallel_loop3A_351, %parallel_loop3A_352, %parallel_loop3A_353], %parallel_loop3A_350 {strides = array<i32>} : memref<2x56x128xf32, #tpu.memory_space<vmem>>, vector<16xf32>,
      } {sc.loop_unroll_factor = 2 : i64, sc.parallel_access}
      %eq3A_223 = arith.constant 0 : i32
      %eq3A_224 = arith.cmpi eq, %rem3A_206, %eq3A_223 : i32
      %convert_element_type3A_225 = arith.extui %eq3A_224 : i1 to i32
      %cond3A_226 = arith.constant 0 : i32
      %cond3A_227 = arith.cmpi ne, %convert_element_type3A_225, %cond3A_226 : i32
      scf.if %cond3A_227 {
        %mul3A_240 = arith.constant 128 : i32
        %mul3A_241 = arith.muli %scan3A_205, %mul3A_240 : i32
        %add3A_242 = arith.addi %mul3A_2, %mul3A_241 : i32
        %dma_start3A_243 = arith.constant 0 : i32
        %dma_start3A_244 = arith.constant 0 : i32
        %dma_start3A_245 = tpu.memref_slice %arg8[%rem3A_206, %dma_start3A_243, %dma_start3A_244] : memref<2x56x128xf32, #tpu.memory_space<vmem>> -> memref<1x48x128xf32, #tpu.memory_space<vmem>>
        %dma_start3A_246 = tpu.memref_squeeze %dma_start3A_245 : memref<1x48x128xf32, #tpu.memory_space<vmem>> -> memref<48x128xf32, #tpu.memory_space<vmem>>
        %dma_start3A_247 = arith.constant 0 : i32
        %dma_start3A_248 = tpu.memref_slice %arg4[%dma_start3A_247, %add3A_242] : memref<100x16384xf32, #tpu.memory_space<hbm>> -> memref<48x128xf32, #tpu.memory_space<hbm>>
        %dma_start3A_249 = arith.constant 0 : i32
        %dma_start3A_250 = tpu.memref_slice %arg4[%dma_start3A_249, %add3A_242] : memref<100x16384xf32, #tpu.memory_space<hbm>> -> memref<48x128xf32, #tpu.memory_space<hbm>>
        %dma_start3A_251 = arith.constant 0 : i32
        %dma_start3A_252 = arith.constant 0 : i32
        %dma_start3A_253 = tpu.memref_slice %arg8[%rem3A_206, %dma_start3A_251, %dma_start3A_252] : memref<2x56x128xf32, #tpu.memory_space<vmem>> -> memref<1x48x128xf32, #tpu.memory_space<vmem>>
        %dma_start3A_254 = tpu.memref_squeeze %dma_start3A_253 : memref<1x48x128xf32, #tpu.memory_space<vmem>> -> memref<48x128xf32, #tpu.memory_space<vmem>>
        tpu.enqueue_dma source(%dma_start3A_254 : memref<48x128xf32, #tpu.memory_space<vmem>>) target(%dma_start3A_250 : memref<48x128xf32, #tpu.memory_space<hbm>>) target_semaphore(%arg12 : memref<!tpu.dma_semaphore, #tpu.memory_space<semaphore_mem>>)
      } else {
      }
      %eq3A_228 = arith.constant 1 : i32
      %eq3A_229 = arith.cmpi eq, %rem3A_206, %eq3A_228 : i32
      %convert_element_type3A_230 = arith.extui %eq3A_229 : i1 to i32
      %cond3A_231 = arith.constant 0 : i32
      %cond3A_232 = arith.cmpi ne, %convert_element_type3A_230, %cond3A_231 : i32
      scf.if %cond3A_232 {
        %mul3A_240 = arith.constant 128 : i32
        %mul3A_241 = arith.muli %scan3A_205, %mul3A_240 : i32
        %add3A_242 = arith.addi %mul3A_2, %mul3A_241 : i32
        %dma_start3A_243 = arith.constant 0 : i32
        %dma_start3A_244 = arith.constant 0 : i32
        %dma_start3A_245 = tpu.memref_slice %arg8[%rem3A_206, %dma_start3A_243, %dma_start3A_244] : memref<2x56x128xf32, #tpu.memory_space<vmem>> -> memref<1x48x128xf32, #tpu.memory_space<vmem>>
        %dma_start3A_246 = tpu.memref_squeeze %dma_start3A_245 : memref<1x48x128xf32, #tpu.memory_space<vmem>> -> memref<48x128xf32, #tpu.memory_space<vmem>>
        %dma_start3A_247 = arith.constant 0 : i32
        %dma_start3A_248 = tpu.memref_slice %arg4[%dma_start3A_247, %add3A_242] : memref<100x16384xf32, #tpu.memory_space<hbm>> -> memref<48x128xf32, #tpu.memory_space<hbm>>
        %dma_start3A_249 = arith.constant 0 : i32
        %dma_start3A_250 = tpu.memref_slice %arg4[%dma_start3A_249, %add3A_242] : memref<100x16384xf32, #tpu.memory_space<hbm>> -> memref<48x128xf32, #tpu.memory_space<hbm>>
        %dma_start3A_251 = arith.constant 0 : i32
        %dma_start3A_252 = arith.constant 0 : i32
        %dma_start3A_253 = tpu.memref_slice %arg8[%rem3A_206, %dma_start3A_251, %dma_start3A_252] : memref<2x56x128xf32, #tpu.memory_space<vmem>> -> memref<1x48x128xf32, #tpu.memory_space<vmem>>
        %dma_start3A_254 = tpu.memref_squeeze %dma_start3A_253 : memref<1x48x128xf32, #tpu.memory_space<vmem>> -> memref<48x128xf32, #tpu.memory_space<vmem>>
        tpu.enqueue_dma source(%dma_start3A_254 : memref<48x128xf32, #tpu.memory_space<vmem>>) target(%dma_start3A_250 : memref<48x128xf32, #tpu.memory_space<hbm>>) target_semaphore(%arg13 : memref<!tpu.dma_semaphore, #tpu.memory_space<semaphore_mem>>)
      } else {
      }
      %add3A_233 = arith.constant 2 : i32
      %add3A_234 = arith.addi %scan3A_205, %add3A_233 : i32
      %lt3A_235 = arith.constant 4 : i32
      %lt3A_236 = arith.cmpi slt, %add3A_234, %lt3A_235 : i32
      %convert_element_type3A_237 = arith.extui %lt3A_236 : i1 to i32
      %cond3A_238 = arith.constant 0 : i32
      %cond3A_239 = arith.cmpi ne, %convert_element_type3A_237, %cond3A_238 : i32
      scf.if %cond3A_239 {
        %eq3A_240 = arith.constant 0 : i32
        %eq3A_241 = arith.cmpi eq, %rem3A_206, %eq3A_240 : i32
        %convert_element_type3A_242 = arith.extui %eq3A_241 : i1 to i32
        %cond3A_243 = arith.constant 0 : i32
        %cond3A_244 = arith.cmpi ne, %convert_element_type3A_242, %cond3A_243 : i32
        scf.if %cond3A_244 {
          %add3A_250 = arith.constant 2 : i32
          %add3A_251 = arith.addi %scan3A_205, %add3A_250 : i32
          %mul3A_252 = arith.constant 128 : i32
          %mul3A_253 = arith.muli %add3A_251, %mul3A_252 : i32
          %add3A_254 = arith.addi %mul3A_2, %mul3A_253 : i32
          %dma_start3A_255 = arith.constant 0 : i32
          %dma_start3A_256 = arith.constant 0 : i32
          %dma_start3A_257 = tpu.memref_slice %arg7[%rem3A_206, %dma_start3A_255, %dma_start3A_256] : memref<2x56x128xi32, #tpu.memory_space<vmem>> -> memref<1x48x128xi32, #tpu.memory_space<vmem>>
          %dma_start3A_258 = tpu.memref_squeeze %dma_start3A_257 : memref<1x48x128xi32, #tpu.memory_space<vmem>> -> memref<48x128xi32, #tpu.memory_space<vmem>>
          %dma_start3A_259 = arith.constant 0 : i32
          %dma_start3A_260 = tpu.memref_slice %arg2[%dma_start3A_259, %add3A_254] : memref<100x16384xi32, #tpu.memory_space<hbm>> -> memref<48x128xi32, #tpu.memory_space<hbm>>
          %dma_start3A_261 = arith.constant 0 : i32
          %dma_start3A_262 = arith.constant 0 : i32
          %dma_start3A_263 = tpu.memref_slice %arg7[%rem3A_206, %dma_start3A_261, %dma_start3A_262] : memref<2x56x128xi32, #tpu.memory_space<vmem>> -> memref<1x48x128xi32, #tpu.memory_space<vmem>>
          %dma_start3A_264 = tpu.memref_squeeze %dma_start3A_263 : memref<1x48x128xi32, #tpu.memory_space<vmem>> -> memref<48x128xi32, #tpu.memory_space<vmem>>
          %dma_start3A_265 = arith.constant 0 : i32
          %dma_start3A_266 = tpu.memref_slice %arg2[%dma_start3A_265, %add3A_254] : memref<100x16384xi32, #tpu.memory_space<hbm>> -> memref<48x128xi32, #tpu.memory_space<hbm>>
          tpu.enqueue_dma source(%dma_start3A_266 : memref<48x128xi32, #tpu.memory_space<hbm>>) target(%dma_start3A_264 : memref<48x128xi32, #tpu.memory_space<vmem>>) target_semaphore(%arg10 : memref<!tpu.dma_semaphore, #tpu.memory_space<semaphore_mem>>)
        } else {
        }
        %eq3A_245 = arith.constant 1 : i32
        %eq3A_246 = arith.cmpi eq, %rem3A_206, %eq3A_245 : i32
        %convert_element_type3A_247 = arith.extui %eq3A_246 : i1 to i32
        %cond3A_248 = arith.constant 0 : i32
        %cond3A_249 = arith.cmpi ne, %convert_element_type3A_247, %cond3A_248 : i32
        scf.if %cond3A_249 {
          %add3A_250 = arith.constant 2 : i32
          %add3A_251 = arith.addi %scan3A_205, %add3A_250 : i32
          %mul3A_252 = arith.constant 128 : i32
          %mul3A_253 = arith.muli %add3A_251, %mul3A_252 : i32
          %add3A_254 = arith.addi %mul3A_2, %mul3A_253 : i32
          %dma_start3A_255 = arith.constant 0 : i32
          %dma_start3A_256 = arith.constant 0 : i32
          %dma_start3A_257 = tpu.memref_slice %arg7[%rem3A_206, %dma_start3A_255, %dma_start3A_256] : memref<2x56x128xi32, #tpu.memory_space<vmem>> -> memref<1x48x128xi32, #tpu.memory_space<vmem>>
          %dma_start3A_258 = tpu.memref_squeeze %dma_start3A_257 : memref<1x48x128xi32, #tpu.memory_space<vmem>> -> memref<48x128xi32, #tpu.memory_space<vmem>>
          %dma_start3A_259 = arith.constant 0 : i32
          %dma_start3A_260 = tpu.memref_slice %arg2[%dma_start3A_259, %add3A_254] : memref<100x16384xi32, #tpu.memory_space<hbm>> -> memref<48x128xi32, #tpu.memory_space<hbm>>
          %dma_start3A_261 = arith.constant 0 : i32
          %dma_start3A_262 = arith.constant 0 : i32
          %dma_start3A_263 = tpu.memref_slice %arg7[%rem3A_206, %dma_start3A_261, %dma_start3A_262] : memref<2x56x128xi32, #tpu.memory_space<vmem>> -> memref<1x48x128xi32, #tpu.memory_space<vmem>>
          %dma_start3A_264 = tpu.memref_squeeze %dma_start3A_263 : memref<1x48x128xi32, #tpu.memory_space<vmem>> -> memref<48x128xi32, #tpu.memory_space<vmem>>
          %dma_start3A_265 = arith.constant 0 : i32
          %dma_start3A_266 = tpu.memref_slice %arg2[%dma_start3A_265, %add3A_254] : memref<100x16384xi32, #tpu.memory_space<hbm>> -> memref<48x128xi32, #tpu.memory_space<hbm>>
          tpu.enqueue_dma source(%dma_start3A_266 : memref<48x128xi32, #tpu.memory_space<hbm>>) target(%dma_start3A_264 : memref<48x128xi32, #tpu.memory_space<vmem>>) target_semaphore(%arg11 : memref<!tpu.dma_semaphore, #tpu.memory_space<semaphore_mem>>)
        } else {
        }
      } else {
      }
    }
    %scan3A_69 = arith.constant 4 : i32
    %add3A_70 = arith.constant 256 : i32
    %add3A_71 = arith.addi %mul3A_2, %add3A_70 : i32
    %dma_wait3A = arith.constant 0 : i32
    %dma_wait3A_72 = arith.constant 0 : i32
    %dma_wait3A_73 = arith.constant 0 : i32
    %dma_wait3A_74 = tpu.memref_slice %arg8[%dma_wait3A, %dma_wait3A_72, %dma_wait3A_73] : memref<2x56x128xf32, #tpu.memory_space<vmem>> -> memref<1x48x128xf32, #tpu.memory_space<vmem>>
    %dma_wait3A_75 = tpu.memref_squeeze %dma_wait3A_74 : memref<1x48x128xf32, #tpu.memory_space<vmem>> -> memref<48x128xf32, #tpu.memory_space<vmem>>
    %dma_wait3A_76 = arith.constant 0 : i32
    %dma_wait3A_77 = tpu.memref_slice %arg4[%dma_wait3A_76, %add3A_71] : memref<100x16384xf32, #tpu.memory_space<hbm>> -> memref<48x128xf32, #tpu.memory_space<hbm>>
    %dma_wait3A_78 = arith.constant 0 : i32
    %dma_wait3A_79 = tpu.memref_slice %arg4[%dma_wait3A_78, %add3A_71] : memref<100x16384xf32, #tpu.memory_space<hbm>> -> memref<48x128xf32, #tpu.memory_space<hbm>>
    %dma_wait3A_80 = arith.constant 0 : i32
    %dma_wait3A_81 = arith.constant 0 : i32
    %dma_wait3A_82 = tpu.memref_slice %arg8[%dma_wait3A, %dma_wait3A_80, %dma_wait3A_81] : memref<2x56x128xf32, #tpu.memory_space<vmem>> -> memref<1x48x128xf32, #tpu.memory_space<vmem>>
    %dma_wait3A_83 = tpu.memref_squeeze %dma_wait3A_82 : memref<1x48x128xf32, #tpu.memory_space<vmem>> -> memref<48x128xf32, #tpu.memory_space<vmem>>
    tpu.wait_dma2 semaphore(%arg12 : memref<!tpu.dma_semaphore, #tpu.memory_space<semaphore_mem>>) src(%dma_wait3A_83 : memref<48x128xf32, #tpu.memory_space<vmem>>) dst(%dma_wait3A_79 : memref<48x128xf32, #tpu.memory_space<hbm>>)
    %add3A_84 = arith.constant 384 : i32
    %add3A_85 = arith.addi %mul3A_2, %add3A_84 : i32
    %dma_wait3A_86 = arith.constant 1 : i32
    %dma_wait3A_87 = arith.constant 0 : i32
    %dma_wait3A_88 = arith.constant 0 : i32
    %dma_wait3A_89 = tpu.memref_slice %arg8[%dma_wait3A_86, %dma_wait3A_87, %dma_wait3A_88] : memref<2x56x128xf32, #tpu.memory_space<vmem>> -> memref<1x48x128xf32, #tpu.memory_space<vmem>>
    %dma_wait3A_90 = tpu.memref_squeeze %dma_wait3A_89 : memref<1x48x128xf32, #tpu.memory_space<vmem>> -> memref<48x128xf32, #tpu.memory_space<vmem>>
    %dma_wait3A_91 = arith.constant 0 : i32
    %dma_wait3A_92 = tpu.memref_slice %arg4[%dma_wait3A_91, %add3A_85] : memref<100x16384xf32, #tpu.memory_space<hbm>> -> memref<48x128xf32, #tpu.memory_space<hbm>>
    %dma_wait3A_93 = arith.constant 0 : i32
    %dma_wait3A_94 = tpu.memref_slice %arg4[%dma_wait3A_93, %add3A_85] : memref<100x16384xf32, #tpu.memory_space<hbm>> -> memref<48x128xf32, #tpu.memory_space<hbm>>
    %dma_wait3A_95 = arith.constant 0 : i32
    %dma_wait3A_96 = arith.constant 0 : i32
    %dma_wait3A_97 = tpu.memref_slice %arg8[%dma_wait3A_86, %dma_wait3A_95, %dma_wait3A_96] : memref<2x56x128xf32, #tpu.memory_space<vmem>> -> memref<1x48x128xf32, #tpu.memory_space<vmem>>
    %dma_wait3A_98 = tpu.memref_squeeze %dma_wait3A_97 : memref<1x48x128xf32, #tpu.memory_space<vmem>> -> memref<48x128xf32, #tpu.memory_space<vmem>>
    tpu.wait_dma2 semaphore(%arg13 : memref<!tpu.dma_semaphore, #tpu.memory_space<semaphore_mem>>) src(%dma_wait3A_98 : memref<48x128xf32, #tpu.memory_space<vmem>>) dst(%dma_wait3A_94 : memref<48x128xf32, #tpu.memory_space<hbm>>)
    %dma_wait3A_99 = arith.constant 38400 : i32
    %dma_wait3A_100 = tpu.memref_slice %arg9[%dma_wait3A_99] : memref<80000xf32, #tpu.memory_space<vmem_shared>> -> memref<41600xf32, #tpu.memory_space<vmem_shared>>
    %dma_wait3A_101 = arith.constant 38400 : i32
    %dma_wait3A_102 = tpu.memref_slice %arg9[%dma_wait3A_101] : memref<80000xf32, #tpu.memory_space<vmem_shared>> -> memref<41600xf32, #tpu.memory_space<vmem_shared>>
    tpu.wait_dma2 semaphore(%arg14 : memref<!tpu.dma_semaphore, #tpu.memory_space<semaphore_mem>>) src(%dma_wait3A_102 : memref<41600xf32, #tpu.memory_space<vmem_shared>>) dst(%arg6 : memref<41600xf32, #tpu.memory_space<vmem>>)
    %add3A_103 = arith.constant 0 : i32
    %add3A_104 = vector.broadcast %add3A_103 : i32 to vector<16xi32>
    %add3A_105 = arith.addi %iota3A, %add3A_104 : vector<16xi32>
    %mul3A_106 = arith.constant 800 : i32
    %mul3A_107 = vector.broadcast %mul3A_106 : i32 to vector<16xi32>
    %mul3A_108 = arith.muli %add3A_105, %mul3A_107 : vector<16xi32>
    %lt3A_109 = arith.constant 52 : i32
    %lt3A_110 = vector.broadcast %lt3A_109 : i32 to vector<16xi32>
    %lt3A_111 = arith.cmpi slt, %add3A_105, %lt3A_110 : vector<16xi32>
    tpu.vector_store_idx %arg6[%mul3A_108], %broadcast_in_dim3A_38 masked %lt3A_111 : memref<41600xf32, #tpu.memory_space<vmem>>[vector<16xi32>], vector<16xf32>, vector<16xi1>
    %add3A_112 = arith.constant 16 : i32
    %add3A_113 = vector.broadcast %add3A_112 : i32 to vector<16xi32>
    %add3A_114 = arith.addi %iota3A, %add3A_113 : vector<16xi32>
    %mul3A_115 = arith.constant 800 : i32
    %mul3A_116 = vector.broadcast %mul3A_115 : i32 to vector<16xi32>
    %mul3A_117 = arith.muli %add3A_114, %mul3A_116 : vector<16xi32>
    %lt3A_118 = arith.constant 52 : i32
    %lt3A_119 = vector.broadcast %lt3A_118 : i32 to vector<16xi32>
    %lt3A_120 = arith.cmpi slt, %add3A_114, %lt3A_119 : vector<16xi32>
    tpu.vector_store_idx %arg6[%mul3A_117], %broadcast_in_dim3A_38 masked %lt3A_120 : memref<41600xf32, #tpu.memory_space<vmem>>[vector<16xi32>], vector<16xf32>, vector<16xi1>
    %add3A_121 = arith.constant 32 : i32
    %add3A_122 = vector.broadcast %add3A_121 : i32 to vector<16xi32>
    %add3A_123 = arith.addi %iota3A, %add3A_122 : vector<16xi32>
    %mul3A_124 = arith.constant 800 : i32
    %mul3A_125 = vector.broadcast %mul3A_124 : i32 to vector<16xi32>
    %mul3A_126 = arith.muli %add3A_123, %mul3A_125 : vector<16xi32>
    %lt3A_127 = arith.constant 52 : i32
    %lt3A_128 = vector.broadcast %lt3A_127 : i32 to vector<16xi32>
    %lt3A_129 = arith.cmpi slt, %add3A_123, %lt3A_128 : vector<16xi32>
    tpu.vector_store_idx %arg6[%mul3A_126], %broadcast_in_dim3A_38 masked %lt3A_129 : memref<41600xf32, #tpu.memory_space<vmem>>[vector<16xi32>], vector<16xf32>, vector<16xi1>
    %add3A_130 = arith.constant 48 : i32
    %add3A_131 = vector.broadcast %add3A_130 : i32 to vector<16xi32>
    %add3A_132 = arith.addi %iota3A, %add3A_131 : vector<16xi32>
    %mul3A_133 = arith.constant 800 : i32
    %mul3A_134 = vector.broadcast %mul3A_133 : i32 to vector<16xi32>
    %mul3A_135 = arith.muli %add3A_132, %mul3A_134 : vector<16xi32>
    %lt3A_136 = arith.constant 52 : i32
    %lt3A_137 = vector.broadcast %lt3A_136 : i32 to vector<16xi32>
    %lt3A_138 = arith.cmpi slt, %add3A_132, %lt3A_137 : vector<16xi32>
    tpu.vector_store_idx %arg6[%mul3A_135], %broadcast_in_dim3A_38 masked %lt3A_138 : memref<41600xf32, #tpu.memory_space<vmem>>[vector<16xi32>], vector<16xf32>, vector<16xi1>
    %add3A_139 = arith.constant 0 : i32
    %add3A_140 = arith.addi %mul3A_2, %add3A_139 : i32
    %dma_start3A_141 = arith.constant 0 : i32
    %dma_start3A_142 = arith.constant 0 : i32
    %dma_start3A_143 = arith.constant 0 : i32
    %dma_start3A_144 = tpu.memref_slice %arg7[%dma_start3A_141, %dma_start3A_142, %dma_start3A_143] : memref<2x56x128xi32, #tpu.memory_space<vmem>> -> memref<1x52x128xi32, #tpu.memory_space<vmem>>
    %dma_start3A_145 = tpu.memref_squeeze %dma_start3A_144 : memref<1x52x128xi32, #tpu.memory_space<vmem>> -> memref<52x128xi32, #tpu.memory_space<vmem>>
    %dma_start3A_146 = arith.constant 48 : i32
    %dma_start3A_147 = tpu.memref_slice %arg2[%dma_start3A_146, %add3A_140] : memref<100x16384xi32, #tpu.memory_space<hbm>> -> memref<52x128xi32, #tpu.memory_space<hbm>>
    %dma_start3A_148 = arith.constant 0 : i32
    %dma_start3A_149 = arith.constant 0 : i32
    %dma_start3A_150 = tpu.memref_slice %arg7[%dma_start3A_141, %dma_start3A_148, %dma_start3A_149] : memref<2x56x128xi32, #tpu.memory_space<vmem>> -> memref<1x52x128xi32, #tpu.memory_space<vmem>>
    %dma_start3A_151 = tpu.memref_squeeze %dma_start3A_150 : memref<1x52x128xi32, #tpu.memory_space<vmem>> -> memref<52x128xi32, #tpu.memory_space<vmem>>
    %dma_start3A_152 = arith.constant 48 : i32
    %dma_start3A_153 = tpu.memref_slice %arg2[%dma_start3A_152, %add3A_140] : memref<100x16384xi32, #tpu.memory_space<hbm>> -> memref<52x128xi32, #tpu.memory_space<hbm>>
    tpu.enqueue_dma source(%dma_start3A_153 : memref<52x128xi32, #tpu.memory_space<hbm>>) target(%dma_start3A_151 : memref<52x128xi32, #tpu.memory_space<vmem>>) target_semaphore(%arg10 : memref<!tpu.dma_semaphore, #tpu.memory_space<semaphore_mem>>)
    %add3A_154 = arith.constant 128 : i32
    %add3A_155 = arith.addi %mul3A_2, %add3A_154 : i32
    %dma_start3A_156 = arith.constant 1 : i32
    %dma_start3A_157 = arith.constant 0 : i32
    %dma_start3A_158 = arith.constant 0 : i32
    %dma_start3A_159 = tpu.memref_slice %arg7[%dma_start3A_156, %dma_start3A_157, %dma_start3A_158] : memref<2x56x128xi32, #tpu.memory_space<vmem>> -> memref<1x52x128xi32, #tpu.memory_space<vmem>>
    %dma_start3A_160 = tpu.memref_squeeze %dma_start3A_159 : memref<1x52x128xi32, #tpu.memory_space<vmem>> -> memref<52x128xi32, #tpu.memory_space<vmem>>
    %dma_start3A_161 = arith.constant 48 : i32
    %dma_start3A_162 = tpu.memref_slice %arg2[%dma_start3A_161, %add3A_155] : memref<100x16384xi32, #tpu.memory_space<hbm>> -> memref<52x128xi32, #tpu.memory_space<hbm>>
    %dma_start3A_163 = arith.constant 0 : i32
    %dma_start3A_164 = arith.constant 0 : i32
    %dma_start3A_165 = tpu.memref_slice %arg7[%dma_start3A_156, %dma_start3A_163, %dma_start3A_164] : memref<2x56x128xi32, #tpu.memory_space<vmem>> -> memref<1x52x128xi32, #tpu.memory_space<vmem>>
    %dma_start3A_166 = tpu.memref_squeeze %dma_start3A_165 : memref<1x52x128xi32, #tpu.memory_space<vmem>> -> memref<52x128xi32, #tpu.memory_space<vmem>>
    %dma_start3A_167 = arith.constant 48 : i32
    %dma_start3A_168 = tpu.memref_slice %arg2[%dma_start3A_167, %add3A_155] : memref<100x16384xi32, #tpu.memory_space<hbm>> -> memref<52x128xi32, #tpu.memory_space<hbm>>
    tpu.enqueue_dma source(%dma_start3A_168 : memref<52x128xi32, #tpu.memory_space<hbm>>) target(%dma_start3A_166 : memref<52x128xi32, #tpu.memory_space<vmem>>) target_semaphore(%arg11 : memref<!tpu.dma_semaphore, #tpu.memory_space<semaphore_mem>>)
    %scan3A_169 = arith.constant 0 : i32
    %scan3A_170 = arith.constant 0 : i32
    %scan3A_171 = arith.constant 4 : i32
    %scan3A_172 = arith.addi %scan3A_170, %scan3A_171 : i32
    %scan3A_173 = arith.constant 1 : i32
    scf.for %scan3A_205 = %scan3A_170 to %scan3A_172 step %scan3A_173  : i32 {
      %rem3A = arith.constant 2 : i32
      %rem3A_206 = arith.remsi %scan3A_205, %rem3A : i32
      %eq3A_207 = arith.constant 0 : i32
      %eq3A_208 = arith.cmpi eq, %rem3A_206, %eq3A_207 : i32
      %convert_element_type3A_209 = arith.extui %eq3A_208 : i1 to i32
      %cond3A_210 = arith.constant 0 : i32
      %cond3A_211 = arith.cmpi ne, %convert_element_type3A_209, %cond3A_210 : i32
      scf.if %cond3A_211 {
        %mul3A_240 = arith.constant 128 : i32
        %mul3A_241 = arith.muli %scan3A_205, %mul3A_240 : i32
        %add3A_242 = arith.addi %mul3A_2, %mul3A_241 : i32
        %dma_wait3A_243 = arith.constant 0 : i32
        %dma_wait3A_244 = arith.constant 0 : i32
        %dma_wait3A_245 = tpu.memref_slice %arg7[%rem3A_206, %dma_wait3A_243, %dma_wait3A_244] : memref<2x56x128xi32, #tpu.memory_space<vmem>> -> memref<1x52x128xi32, #tpu.memory_space<vmem>>
        %dma_wait3A_246 = tpu.memref_squeeze %dma_wait3A_245 : memref<1x52x128xi32, #tpu.memory_space<vmem>> -> memref<52x128xi32, #tpu.memory_space<vmem>>
        %dma_wait3A_247 = arith.constant 48 : i32
        %dma_wait3A_248 = tpu.memref_slice %arg2[%dma_wait3A_247, %add3A_242] : memref<100x16384xi32, #tpu.memory_space<hbm>> -> memref<52x128xi32, #tpu.memory_space<hbm>>
        %dma_wait3A_249 = arith.constant 0 : i32
        %dma_wait3A_250 = arith.constant 0 : i32
        %dma_wait3A_251 = tpu.memref_slice %arg7[%rem3A_206, %dma_wait3A_249, %dma_wait3A_250] : memref<2x56x128xi32, #tpu.memory_space<vmem>> -> memref<1x52x128xi32, #tpu.memory_space<vmem>>
        %dma_wait3A_252 = tpu.memref_squeeze %dma_wait3A_251 : memref<1x52x128xi32, #tpu.memory_space<vmem>> -> memref<52x128xi32, #tpu.memory_space<vmem>>
        %dma_wait3A_253 = arith.constant 48 : i32
        %dma_wait3A_254 = tpu.memref_slice %arg2[%dma_wait3A_253, %add3A_242] : memref<100x16384xi32, #tpu.memory_space<hbm>> -> memref<52x128xi32, #tpu.memory_space<hbm>>
        tpu.wait_dma2 semaphore(%arg10 : memref<!tpu.dma_semaphore, #tpu.memory_space<semaphore_mem>>) src(%dma_wait3A_254 : memref<52x128xi32, #tpu.memory_space<hbm>>) dst(%dma_wait3A_252 : memref<52x128xi32, #tpu.memory_space<vmem>>)
      } else {
      }
      %eq3A_212 = arith.constant 1 : i32
      %eq3A_213 = arith.cmpi eq, %rem3A_206, %eq3A_212 : i32
      %convert_element_type3A_214 = arith.extui %eq3A_213 : i1 to i32
      %cond3A_215 = arith.constant 0 : i32
      %cond3A_216 = arith.cmpi ne, %convert_element_type3A_214, %cond3A_215 : i32
      scf.if %cond3A_216 {
        %mul3A_240 = arith.constant 128 : i32
        %mul3A_241 = arith.muli %scan3A_205, %mul3A_240 : i32
        %add3A_242 = arith.addi %mul3A_2, %mul3A_241 : i32
        %dma_wait3A_243 = arith.constant 0 : i32
        %dma_wait3A_244 = arith.constant 0 : i32
        %dma_wait3A_245 = tpu.memref_slice %arg7[%rem3A_206, %dma_wait3A_243, %dma_wait3A_244] : memref<2x56x128xi32, #tpu.memory_space<vmem>> -> memref<1x52x128xi32, #tpu.memory_space<vmem>>
        %dma_wait3A_246 = tpu.memref_squeeze %dma_wait3A_245 : memref<1x52x128xi32, #tpu.memory_space<vmem>> -> memref<52x128xi32, #tpu.memory_space<vmem>>
        %dma_wait3A_247 = arith.constant 48 : i32
        %dma_wait3A_248 = tpu.memref_slice %arg2[%dma_wait3A_247, %add3A_242] : memref<100x16384xi32, #tpu.memory_space<hbm>> -> memref<52x128xi32, #tpu.memory_space<hbm>>
        %dma_wait3A_249 = arith.constant 0 : i32
        %dma_wait3A_250 = arith.constant 0 : i32
        %dma_wait3A_251 = tpu.memref_slice %arg7[%rem3A_206, %dma_wait3A_249, %dma_wait3A_250] : memref<2x56x128xi32, #tpu.memory_space<vmem>> -> memref<1x52x128xi32, #tpu.memory_space<vmem>>
        %dma_wait3A_252 = tpu.memref_squeeze %dma_wait3A_251 : memref<1x52x128xi32, #tpu.memory_space<vmem>> -> memref<52x128xi32, #tpu.memory_space<vmem>>
        %dma_wait3A_253 = arith.constant 48 : i32
        %dma_wait3A_254 = tpu.memref_slice %arg2[%dma_wait3A_253, %add3A_242] : memref<100x16384xi32, #tpu.memory_space<hbm>> -> memref<52x128xi32, #tpu.memory_space<hbm>>
        tpu.wait_dma2 semaphore(%arg11 : memref<!tpu.dma_semaphore, #tpu.memory_space<semaphore_mem>>) src(%dma_wait3A_254 : memref<52x128xi32, #tpu.memory_space<hbm>>) dst(%dma_wait3A_252 : memref<52x128xi32, #tpu.memory_space<vmem>>)
      } else {
      }
      %ge3A = arith.constant 2 : i32
      %ge3A_217 = arith.cmpi sge, %scan3A_205, %ge3A : i32
      %convert_element_type3A_218 = arith.extui %ge3A_217 : i1 to i32
      %cond3A_219 = arith.constant 0 : i32
      %cond3A_220 = arith.cmpi ne, %convert_element_type3A_218, %cond3A_219 : i32
      scf.if %cond3A_220 {
        %eq3A_240 = arith.constant 0 : i32
        %eq3A_241 = arith.cmpi eq, %rem3A_206, %eq3A_240 : i32
        %convert_element_type3A_242 = arith.extui %eq3A_241 : i1 to i32
        %cond3A_243 = arith.constant 0 : i32
        %cond3A_244 = arith.cmpi ne, %convert_element_type3A_242, %cond3A_243 : i32
        scf.if %cond3A_244 {
          %sub3A = arith.constant 2 : i32
          %sub3A_250 = arith.subi %scan3A_205, %sub3A : i32
          %mul3A_251 = arith.constant 128 : i32
          %mul3A_252 = arith.muli %sub3A_250, %mul3A_251 : i32
          %add3A_253 = arith.addi %mul3A_2, %mul3A_252 : i32
          %dma_wait3A_254 = arith.constant 0 : i32
          %dma_wait3A_255 = arith.constant 0 : i32
          %dma_wait3A_256 = tpu.memref_slice %arg8[%rem3A_206, %dma_wait3A_254, %dma_wait3A_255] : memref<2x56x128xf32, #tpu.memory_space<vmem>> -> memref<1x52x128xf32, #tpu.memory_space<vmem>>
          %dma_wait3A_257 = tpu.memref_squeeze %dma_wait3A_256 : memref<1x52x128xf32, #tpu.memory_space<vmem>> -> memref<52x128xf32, #tpu.memory_space<vmem>>
          %dma_wait3A_258 = arith.constant 48 : i32
          %dma_wait3A_259 = tpu.memref_slice %arg4[%dma_wait3A_258, %add3A_253] : memref<100x16384xf32, #tpu.memory_space<hbm>> -> memref<52x128xf32, #tpu.memory_space<hbm>>
          %dma_wait3A_260 = arith.constant 48 : i32
          %dma_wait3A_261 = tpu.memref_slice %arg4[%dma_wait3A_260, %add3A_253] : memref<100x16384xf32, #tpu.memory_space<hbm>> -> memref<52x128xf32, #tpu.memory_space<hbm>>
          %dma_wait3A_262 = arith.constant 0 : i32
          %dma_wait3A_263 = arith.constant 0 : i32
          %dma_wait3A_264 = tpu.memref_slice %arg8[%rem3A_206, %dma_wait3A_262, %dma_wait3A_263] : memref<2x56x128xf32, #tpu.memory_space<vmem>> -> memref<1x52x128xf32, #tpu.memory_space<vmem>>
          %dma_wait3A_265 = tpu.memref_squeeze %dma_wait3A_264 : memref<1x52x128xf32, #tpu.memory_space<vmem>> -> memref<52x128xf32, #tpu.memory_space<vmem>>
          tpu.wait_dma2 semaphore(%arg12 : memref<!tpu.dma_semaphore, #tpu.memory_space<semaphore_mem>>) src(%dma_wait3A_265 : memref<52x128xf32, #tpu.memory_space<vmem>>) dst(%dma_wait3A_261 : memref<52x128xf32, #tpu.memory_space<hbm>>)
        } else {
        }
        %eq3A_245 = arith.constant 1 : i32
        %eq3A_246 = arith.cmpi eq, %rem3A_206, %eq3A_245 : i32
        %convert_element_type3A_247 = arith.extui %eq3A_246 : i1 to i32
        %cond3A_248 = arith.constant 0 : i32
        %cond3A_249 = arith.cmpi ne, %convert_element_type3A_247, %cond3A_248 : i32
        scf.if %cond3A_249 {
          %sub3A = arith.constant 2 : i32
          %sub3A_250 = arith.subi %scan3A_205, %sub3A : i32
          %mul3A_251 = arith.constant 128 : i32
          %mul3A_252 = arith.muli %sub3A_250, %mul3A_251 : i32
          %add3A_253 = arith.addi %mul3A_2, %mul3A_252 : i32
          %dma_wait3A_254 = arith.constant 0 : i32
          %dma_wait3A_255 = arith.constant 0 : i32
          %dma_wait3A_256 = tpu.memref_slice %arg8[%rem3A_206, %dma_wait3A_254, %dma_wait3A_255] : memref<2x56x128xf32, #tpu.memory_space<vmem>> -> memref<1x52x128xf32, #tpu.memory_space<vmem>>
          %dma_wait3A_257 = tpu.memref_squeeze %dma_wait3A_256 : memref<1x52x128xf32, #tpu.memory_space<vmem>> -> memref<52x128xf32, #tpu.memory_space<vmem>>
          %dma_wait3A_258 = arith.constant 48 : i32
          %dma_wait3A_259 = tpu.memref_slice %arg4[%dma_wait3A_258, %add3A_253] : memref<100x16384xf32, #tpu.memory_space<hbm>> -> memref<52x128xf32, #tpu.memory_space<hbm>>
          %dma_wait3A_260 = arith.constant 48 : i32
          %dma_wait3A_261 = tpu.memref_slice %arg4[%dma_wait3A_260, %add3A_253] : memref<100x16384xf32, #tpu.memory_space<hbm>> -> memref<52x128xf32, #tpu.memory_space<hbm>>
          %dma_wait3A_262 = arith.constant 0 : i32
          %dma_wait3A_263 = arith.constant 0 : i32
          %dma_wait3A_264 = tpu.memref_slice %arg8[%rem3A_206, %dma_wait3A_262, %dma_wait3A_263] : memref<2x56x128xf32, #tpu.memory_space<vmem>> -> memref<1x52x128xf32, #tpu.memory_space<vmem>>
          %dma_wait3A_265 = tpu.memref_squeeze %dma_wait3A_264 : memref<1x52x128xf32, #tpu.memory_space<vmem>> -> memref<52x128xf32, #tpu.memory_space<vmem>>
          tpu.wait_dma2 semaphore(%arg13 : memref<!tpu.dma_semaphore, #tpu.memory_space<semaphore_mem>>) src(%dma_wait3A_265 : memref<52x128xf32, #tpu.memory_space<vmem>>) dst(%dma_wait3A_261 : memref<52x128xf32, #tpu.memory_space<hbm>>)
        } else {
        }
      } else {
      }
      %parallel_loop3A = arith.constant 0 : i32
      %parallel_loop3A_221 = arith.constant 52 : i32
      %parallel_loop3A_222 = arith.constant 1 : i32
      scf.for %parallel_loop3A_240 = %parallel_loop3A to %parallel_loop3A_221 step %parallel_loop3A_222  : i32 {
        %parallel_loop3A_241 = arith.constant 800 : i32
        %parallel_loop3A_242 = arith.muli %parallel_loop3A_240, %parallel_loop3A_241 : i32
        %parallel_loop3A_243 = arith.index_cast %rem3A_206 : i32 to index
        %parallel_loop3A_244 = arith.index_cast %parallel_loop3A_240 : i32 to index
        %parallel_loop3A_245 = arith.constant 0 : index
        %parallel_loop3A_246 = tpu.vector_load %arg7[%parallel_loop3A_243, %parallel_loop3A_244, %parallel_loop3A_245] {strides = array<i32>} : memref<2x56x128xi32, #tpu.memory_space<vmem>>, vector<16xi32>,
        %parallel_loop3A_247 = vector.broadcast %parallel_loop3A_242 : i32 to vector<16xi32>
        %parallel_loop3A_248 = arith.addi %parallel_loop3A_246, %parallel_loop3A_247 : vector<16xi32>
        %parallel_loop3A_249 = tpu.vector_load_idx %arg6[%parallel_loop3A_248] : memref<41600xf32, #tpu.memory_space<vmem>>[vector<16xi32>], vector<16xf32>,
        %parallel_loop3A_250 = arith.constant 0.000000e+00 : f32
        %parallel_loop3A_251 = vector.broadcast %parallel_loop3A_250 : f32 to vector<16xf32>
        %parallel_loop3A_252 = arith.maximumf %parallel_loop3A_249, %parallel_loop3A_251 : vector<16xf32>
        %parallel_loop3A_253 = arith.index_cast %rem3A_206 : i32 to index
        %parallel_loop3A_254 = arith.index_cast %parallel_loop3A_240 : i32 to index
        %parallel_loop3A_255 = arith.constant 0 : index
        %parallel_loop3A_256 = tpu.vector_load %arg8[%parallel_loop3A_253, %parallel_loop3A_254, %parallel_loop3A_255] {strides = array<i32>} : memref<2x56x128xf32, #tpu.memory_space<vmem>>, vector<16xf32>,
        tpu.vector_store %arg8[%parallel_loop3A_253, %parallel_loop3A_254, %parallel_loop3A_255], %parallel_loop3A_252 {strides = array<i32>} : memref<2x56x128xf32, #tpu.memory_space<vmem>>, vector<16xf32>,
        %parallel_loop3A_257 = arith.index_cast %rem3A_206 : i32 to index
        %parallel_loop3A_258 = arith.index_cast %parallel_loop3A_240 : i32 to index
        %parallel_loop3A_259 = arith.constant 16 : index
        %parallel_loop3A_260 = tpu.vector_load %arg7[%parallel_loop3A_257, %parallel_loop3A_258, %parallel_loop3A_259] {strides = array<i32>} : memref<2x56x128xi32, #tpu.memory_space<vmem>>, vector<16xi32>,
        %parallel_loop3A_261 = vector.broadcast %parallel_loop3A_242 : i32 to vector<16xi32>
        %parallel_loop3A_262 = arith.addi %parallel_loop3A_260, %parallel_loop3A_261 : vector<16xi32>
        %parallel_loop3A_263 = tpu.vector_load_idx %arg6[%parallel_loop3A_262] : memref<41600xf32, #tpu.memory_space<vmem>>[vector<16xi32>], vector<16xf32>,
        %parallel_loop3A_264 = arith.constant 0.000000e+00 : f32
        %parallel_loop3A_265 = vector.broadcast %parallel_loop3A_264 : f32 to vector<16xf32>
        %parallel_loop3A_266 = arith.maximumf %parallel_loop3A_263, %parallel_loop3A_265 : vector<16xf32>
        %parallel_loop3A_267 = arith.index_cast %rem3A_206 : i32 to index
        %parallel_loop3A_268 = arith.index_cast %parallel_loop3A_240 : i32 to index
        %parallel_loop3A_269 = arith.constant 16 : index
        %parallel_loop3A_270 = tpu.vector_load %arg8[%parallel_loop3A_267, %parallel_loop3A_268, %parallel_loop3A_269] {strides = array<i32>} : memref<2x56x128xf32, #tpu.memory_space<vmem>>, vector<16xf32>,
        tpu.vector_store %arg8[%parallel_loop3A_267, %parallel_loop3A_268, %parallel_loop3A_269], %parallel_loop3A_266 {strides = array<i32>} : memref<2x56x128xf32, #tpu.memory_space<vmem>>, vector<16xf32>,
        %parallel_loop3A_271 = arith.index_cast %rem3A_206 : i32 to index
        %parallel_loop3A_272 = arith.index_cast %parallel_loop3A_240 : i32 to index
        %parallel_loop3A_273 = arith.constant 32 : index
        %parallel_loop3A_274 = tpu.vector_load %arg7[%parallel_loop3A_271, %parallel_loop3A_272, %parallel_loop3A_273] {strides = array<i32>} : memref<2x56x128xi32, #tpu.memory_space<vmem>>, vector<16xi32>,
        %parallel_loop3A_275 = vector.broadcast %parallel_loop3A_242 : i32 to vector<16xi32>
        %parallel_loop3A_276 = arith.addi %parallel_loop3A_274, %parallel_loop3A_275 : vector<16xi32>
        %parallel_loop3A_277 = tpu.vector_load_idx %arg6[%parallel_loop3A_276] : memref<41600xf32, #tpu.memory_space<vmem>>[vector<16xi32>], vector<16xf32>,
        %parallel_loop3A_278 = arith.constant 0.000000e+00 : f32
        %parallel_loop3A_279 = vector.broadcast %parallel_loop3A_278 : f32 to vector<16xf32>
        %parallel_loop3A_280 = arith.maximumf %parallel_loop3A_277, %parallel_loop3A_279 : vector<16xf32>
        %parallel_loop3A_281 = arith.index_cast %rem3A_206 : i32 to index
        %parallel_loop3A_282 = arith.index_cast %parallel_loop3A_240 : i32 to index
        %parallel_loop3A_283 = arith.constant 32 : index
        %parallel_loop3A_284 = tpu.vector_load %arg8[%parallel_loop3A_281, %parallel_loop3A_282, %parallel_loop3A_283] {strides = array<i32>} : memref<2x56x128xf32, #tpu.memory_space<vmem>>, vector<16xf32>,
        tpu.vector_store %arg8[%parallel_loop3A_281, %parallel_loop3A_282, %parallel_loop3A_283], %parallel_loop3A_280 {strides = array<i32>} : memref<2x56x128xf32, #tpu.memory_space<vmem>>, vector<16xf32>,
        %parallel_loop3A_285 = arith.index_cast %rem3A_206 : i32 to index
        %parallel_loop3A_286 = arith.index_cast %parallel_loop3A_240 : i32 to index
        %parallel_loop3A_287 = arith.constant 48 : index
        %parallel_loop3A_288 = tpu.vector_load %arg7[%parallel_loop3A_285, %parallel_loop3A_286, %parallel_loop3A_287] {strides = array<i32>} : memref<2x56x128xi32, #tpu.memory_space<vmem>>, vector<16xi32>,
        %parallel_loop3A_289 = vector.broadcast %parallel_loop3A_242 : i32 to vector<16xi32>
        %parallel_loop3A_290 = arith.addi %parallel_loop3A_288, %parallel_loop3A_289 : vector<16xi32>
        %parallel_loop3A_291 = tpu.vector_load_idx %arg6[%parallel_loop3A_290] : memref<41600xf32, #tpu.memory_space<vmem>>[vector<16xi32>], vector<16xf32>,
        %parallel_loop3A_292 = arith.constant 0.000000e+00 : f32
        %parallel_loop3A_293 = vector.broadcast %parallel_loop3A_292 : f32 to vector<16xf32>
        %parallel_loop3A_294 = arith.maximumf %parallel_loop3A_291, %parallel_loop3A_293 : vector<16xf32>
        %parallel_loop3A_295 = arith.index_cast %rem3A_206 : i32 to index
        %parallel_loop3A_296 = arith.index_cast %parallel_loop3A_240 : i32 to index
        %parallel_loop3A_297 = arith.constant 48 : index
        %parallel_loop3A_298 = tpu.vector_load %arg8[%parallel_loop3A_295, %parallel_loop3A_296, %parallel_loop3A_297] {strides = array<i32>} : memref<2x56x128xf32, #tpu.memory_space<vmem>>, vector<16xf32>,
        tpu.vector_store %arg8[%parallel_loop3A_295, %parallel_loop3A_296, %parallel_loop3A_297], %parallel_loop3A_294 {strides = array<i32>} : memref<2x56x128xf32, #tpu.memory_space<vmem>>, vector<16xf32>,
        %parallel_loop3A_299 = arith.index_cast %rem3A_206 : i32 to index
        %parallel_loop3A_300 = arith.index_cast %parallel_loop3A_240 : i32 to index
        %parallel_loop3A_301 = arith.constant 64 : index
        %parallel_loop3A_302 = tpu.vector_load %arg7[%parallel_loop3A_299, %parallel_loop3A_300, %parallel_loop3A_301] {strides = array<i32>} : memref<2x56x128xi32, #tpu.memory_space<vmem>>, vector<16xi32>,
        %parallel_loop3A_303 = vector.broadcast %parallel_loop3A_242 : i32 to vector<16xi32>
        %parallel_loop3A_304 = arith.addi %parallel_loop3A_302, %parallel_loop3A_303 : vector<16xi32>
        %parallel_loop3A_305 = tpu.vector_load_idx %arg6[%parallel_loop3A_304] : memref<41600xf32, #tpu.memory_space<vmem>>[vector<16xi32>], vector<16xf32>,
        %parallel_loop3A_306 = arith.constant 0.000000e+00 : f32
        %parallel_loop3A_307 = vector.broadcast %parallel_loop3A_306 : f32 to vector<16xf32>
        %parallel_loop3A_308 = arith.maximumf %parallel_loop3A_305, %parallel_loop3A_307 : vector<16xf32>
        %parallel_loop3A_309 = arith.index_cast %rem3A_206 : i32 to index
        %parallel_loop3A_310 = arith.index_cast %parallel_loop3A_240 : i32 to index
        %parallel_loop3A_311 = arith.constant 64 : index
        %parallel_loop3A_312 = tpu.vector_load %arg8[%parallel_loop3A_309, %parallel_loop3A_310, %parallel_loop3A_311] {strides = array<i32>} : memref<2x56x128xf32, #tpu.memory_space<vmem>>, vector<16xf32>,
        tpu.vector_store %arg8[%parallel_loop3A_309, %parallel_loop3A_310, %parallel_loop3A_311], %parallel_loop3A_308 {strides = array<i32>} : memref<2x56x128xf32, #tpu.memory_space<vmem>>, vector<16xf32>,
        %parallel_loop3A_313 = arith.index_cast %rem3A_206 : i32 to index
        %parallel_loop3A_314 = arith.index_cast %parallel_loop3A_240 : i32 to index
        %parallel_loop3A_315 = arith.constant 80 : index
        %parallel_loop3A_316 = tpu.vector_load %arg7[%parallel_loop3A_313, %parallel_loop3A_314, %parallel_loop3A_315] {strides = array<i32>} : memref<2x56x128xi32, #tpu.memory_space<vmem>>, vector<16xi32>,
        %parallel_loop3A_317 = vector.broadcast %parallel_loop3A_242 : i32 to vector<16xi32>
        %parallel_loop3A_318 = arith.addi %parallel_loop3A_316, %parallel_loop3A_317 : vector<16xi32>
        %parallel_loop3A_319 = tpu.vector_load_idx %arg6[%parallel_loop3A_318] : memref<41600xf32, #tpu.memory_space<vmem>>[vector<16xi32>], vector<16xf32>,
        %parallel_loop3A_320 = arith.constant 0.000000e+00 : f32
        %parallel_loop3A_321 = vector.broadcast %parallel_loop3A_320 : f32 to vector<16xf32>
        %parallel_loop3A_322 = arith.maximumf %parallel_loop3A_319, %parallel_loop3A_321 : vector<16xf32>
        %parallel_loop3A_323 = arith.index_cast %rem3A_206 : i32 to index
        %parallel_loop3A_324 = arith.index_cast %parallel_loop3A_240 : i32 to index
        %parallel_loop3A_325 = arith.constant 80 : index
        %parallel_loop3A_326 = tpu.vector_load %arg8[%parallel_loop3A_323, %parallel_loop3A_324, %parallel_loop3A_325] {strides = array<i32>} : memref<2x56x128xf32, #tpu.memory_space<vmem>>, vector<16xf32>,
        tpu.vector_store %arg8[%parallel_loop3A_323, %parallel_loop3A_324, %parallel_loop3A_325], %parallel_loop3A_322 {strides = array<i32>} : memref<2x56x128xf32, #tpu.memory_space<vmem>>, vector<16xf32>,
        %parallel_loop3A_327 = arith.index_cast %rem3A_206 : i32 to index
        %parallel_loop3A_328 = arith.index_cast %parallel_loop3A_240 : i32 to index
        %parallel_loop3A_329 = arith.constant 96 : index
        %parallel_loop3A_330 = tpu.vector_load %arg7[%parallel_loop3A_327, %parallel_loop3A_328, %parallel_loop3A_329] {strides = array<i32>} : memref<2x56x128xi32, #tpu.memory_space<vmem>>, vector<16xi32>,
        %parallel_loop3A_331 = vector.broadcast %parallel_loop3A_242 : i32 to vector<16xi32>
        %parallel_loop3A_332 = arith.addi %parallel_loop3A_330, %parallel_loop3A_331 : vector<16xi32>
        %parallel_loop3A_333 = tpu.vector_load_idx %arg6[%parallel_loop3A_332] : memref<41600xf32, #tpu.memory_space<vmem>>[vector<16xi32>], vector<16xf32>,
        %parallel_loop3A_334 = arith.constant 0.000000e+00 : f32
        %parallel_loop3A_335 = vector.broadcast %parallel_loop3A_334 : f32 to vector<16xf32>
        %parallel_loop3A_336 = arith.maximumf %parallel_loop3A_333, %parallel_loop3A_335 : vector<16xf32>
        %parallel_loop3A_337 = arith.index_cast %rem3A_206 : i32 to index
        %parallel_loop3A_338 = arith.index_cast %parallel_loop3A_240 : i32 to index
        %parallel_loop3A_339 = arith.constant 96 : index
        %parallel_loop3A_340 = tpu.vector_load %arg8[%parallel_loop3A_337, %parallel_loop3A_338, %parallel_loop3A_339] {strides = array<i32>} : memref<2x56x128xf32, #tpu.memory_space<vmem>>, vector<16xf32>,
        tpu.vector_store %arg8[%parallel_loop3A_337, %parallel_loop3A_338, %parallel_loop3A_339], %parallel_loop3A_336 {strides = array<i32>} : memref<2x56x128xf32, #tpu.memory_space<vmem>>, vector<16xf32>,
        %parallel_loop3A_341 = arith.index_cast %rem3A_206 : i32 to index
        %parallel_loop3A_342 = arith.index_cast %parallel_loop3A_240 : i32 to index
        %parallel_loop3A_343 = arith.constant 112 : index
        %parallel_loop3A_344 = tpu.vector_load %arg7[%parallel_loop3A_341, %parallel_loop3A_342, %parallel_loop3A_343] {strides = array<i32>} : memref<2x56x128xi32, #tpu.memory_space<vmem>>, vector<16xi32>,
        %parallel_loop3A_345 = vector.broadcast %parallel_loop3A_242 : i32 to vector<16xi32>
        %parallel_loop3A_346 = arith.addi %parallel_loop3A_344, %parallel_loop3A_345 : vector<16xi32>
        %parallel_loop3A_347 = tpu.vector_load_idx %arg6[%parallel_loop3A_346] : memref<41600xf32, #tpu.memory_space<vmem>>[vector<16xi32>], vector<16xf32>,
        %parallel_loop3A_348 = arith.constant 0.000000e+00 : f32
        %parallel_loop3A_349 = vector.broadcast %parallel_loop3A_348 : f32 to vector<16xf32>
        %parallel_loop3A_350 = arith.maximumf %parallel_loop3A_347, %parallel_loop3A_349 : vector<16xf32>
        %parallel_loop3A_351 = arith.index_cast %rem3A_206 : i32 to index
        %parallel_loop3A_352 = arith.index_cast %parallel_loop3A_240 : i32 to index
        %parallel_loop3A_353 = arith.constant 112 : index
        %parallel_loop3A_354 = tpu.vector_load %arg8[%parallel_loop3A_351, %parallel_loop3A_352, %parallel_loop3A_353] {strides = array<i32>} : memref<2x56x128xf32, #tpu.memory_space<vmem>>, vector<16xf32>,
        tpu.vector_store %arg8[%parallel_loop3A_351, %parallel_loop3A_352, %parallel_loop3A_353], %parallel_loop3A_350 {strides = array<i32>} : memref<2x56x128xf32, #tpu.memory_space<vmem>>, vector<16xf32>,
      } {sc.loop_unroll_factor = 2 : i64, sc.parallel_access}
      %eq3A_223 = arith.constant 0 : i32
      %eq3A_224 = arith.cmpi eq, %rem3A_206, %eq3A_223 : i32
      %convert_element_type3A_225 = arith.extui %eq3A_224 : i1 to i32
      %cond3A_226 = arith.constant 0 : i32
      %cond3A_227 = arith.cmpi ne, %convert_element_type3A_225, %cond3A_226 : i32
      scf.if %cond3A_227 {
        %mul3A_240 = arith.constant 128 : i32
        %mul3A_241 = arith.muli %scan3A_205, %mul3A_240 : i32
        %add3A_242 = arith.addi %mul3A_2, %mul3A_241 : i32
        %dma_start3A_243 = arith.constant 0 : i32
        %dma_start3A_244 = arith.constant 0 : i32
        %dma_start3A_245 = tpu.memref_slice %arg8[%rem3A_206, %dma_start3A_243, %dma_start3A_244] : memref<2x56x128xf32, #tpu.memory_space<vmem>> -> memref<1x52x128xf32, #tpu.memory_space<vmem>>
        %dma_start3A_246 = tpu.memref_squeeze %dma_start3A_245 : memref<1x52x128xf32, #tpu.memory_space<vmem>> -> memref<52x128xf32, #tpu.memory_space<vmem>>
        %dma_start3A_247 = arith.constant 48 : i32
        %dma_start3A_248 = tpu.memref_slice %arg4[%dma_start3A_247, %add3A_242] : memref<100x16384xf32, #tpu.memory_space<hbm>> -> memref<52x128xf32, #tpu.memory_space<hbm>>
        %dma_start3A_249 = arith.constant 48 : i32
        %dma_start3A_250 = tpu.memref_slice %arg4[%dma_start3A_249, %add3A_242] : memref<100x16384xf32, #tpu.memory_space<hbm>> -> memref<52x128xf32, #tpu.memory_space<hbm>>
        %dma_start3A_251 = arith.constant 0 : i32
        %dma_start3A_252 = arith.constant 0 : i32
        %dma_start3A_253 = tpu.memref_slice %arg8[%rem3A_206, %dma_start3A_251, %dma_start3A_252] : memref<2x56x128xf32, #tpu.memory_space<vmem>> -> memref<1x52x128xf32, #tpu.memory_space<vmem>>
        %dma_start3A_254 = tpu.memref_squeeze %dma_start3A_253 : memref<1x52x128xf32, #tpu.memory_space<vmem>> -> memref<52x128xf32, #tpu.memory_space<vmem>>
        tpu.enqueue_dma source(%dma_start3A_254 : memref<52x128xf32, #tpu.memory_space<vmem>>) target(%dma_start3A_250 : memref<52x128xf32, #tpu.memory_space<hbm>>) target_semaphore(%arg12 : memref<!tpu.dma_semaphore, #tpu.memory_space<semaphore_mem>>)
      } else {
      }
      %eq3A_228 = arith.constant 1 : i32
      %eq3A_229 = arith.cmpi eq, %rem3A_206, %eq3A_228 : i32
      %convert_element_type3A_230 = arith.extui %eq3A_229 : i1 to i32
      %cond3A_231 = arith.constant 0 : i32
      %cond3A_232 = arith.cmpi ne, %convert_element_type3A_230, %cond3A_231 : i32
      scf.if %cond3A_232 {
        %mul3A_240 = arith.constant 128 : i32
        %mul3A_241 = arith.muli %scan3A_205, %mul3A_240 : i32
        %add3A_242 = arith.addi %mul3A_2, %mul3A_241 : i32
        %dma_start3A_243 = arith.constant 0 : i32
        %dma_start3A_244 = arith.constant 0 : i32
        %dma_start3A_245 = tpu.memref_slice %arg8[%rem3A_206, %dma_start3A_243, %dma_start3A_244] : memref<2x56x128xf32, #tpu.memory_space<vmem>> -> memref<1x52x128xf32, #tpu.memory_space<vmem>>
        %dma_start3A_246 = tpu.memref_squeeze %dma_start3A_245 : memref<1x52x128xf32, #tpu.memory_space<vmem>> -> memref<52x128xf32, #tpu.memory_space<vmem>>
        %dma_start3A_247 = arith.constant 48 : i32
        %dma_start3A_248 = tpu.memref_slice %arg4[%dma_start3A_247, %add3A_242] : memref<100x16384xf32, #tpu.memory_space<hbm>> -> memref<52x128xf32, #tpu.memory_space<hbm>>
        %dma_start3A_249 = arith.constant 48 : i32
        %dma_start3A_250 = tpu.memref_slice %arg4[%dma_start3A_249, %add3A_242] : memref<100x16384xf32, #tpu.memory_space<hbm>> -> memref<52x128xf32, #tpu.memory_space<hbm>>
        %dma_start3A_251 = arith.constant 0 : i32
        %dma_start3A_252 = arith.constant 0 : i32
        %dma_start3A_253 = tpu.memref_slice %arg8[%rem3A_206, %dma_start3A_251, %dma_start3A_252] : memref<2x56x128xf32, #tpu.memory_space<vmem>> -> memref<1x52x128xf32, #tpu.memory_space<vmem>>
        %dma_start3A_254 = tpu.memref_squeeze %dma_start3A_253 : memref<1x52x128xf32, #tpu.memory_space<vmem>> -> memref<52x128xf32, #tpu.memory_space<vmem>>
        tpu.enqueue_dma source(%dma_start3A_254 : memref<52x128xf32, #tpu.memory_space<vmem>>) target(%dma_start3A_250 : memref<52x128xf32, #tpu.memory_space<hbm>>) target_semaphore(%arg13 : memref<!tpu.dma_semaphore, #tpu.memory_space<semaphore_mem>>)
      } else {
      }
      %add3A_233 = arith.constant 2 : i32
      %add3A_234 = arith.addi %scan3A_205, %add3A_233 : i32
      %lt3A_235 = arith.constant 4 : i32
      %lt3A_236 = arith.cmpi slt, %add3A_234, %lt3A_235 : i32
      %convert_element_type3A_237 = arith.extui %lt3A_236 : i1 to i32
      %cond3A_238 = arith.constant 0 : i32
      %cond3A_239 = arith.cmpi ne, %convert_element_type3A_237, %cond3A_238 : i32
      scf.if %cond3A_239 {
        %eq3A_240 = arith.constant 0 : i32
        %eq3A_241 = arith.cmpi eq, %rem3A_206, %eq3A_240 : i32
        %convert_element_type3A_242 = arith.extui %eq3A_241 : i1 to i32
        %cond3A_243 = arith.constant 0 : i32
        %cond3A_244 = arith.cmpi ne, %convert_element_type3A_242, %cond3A_243 : i32
        scf.if %cond3A_244 {
          %add3A_250 = arith.constant 2 : i32
          %add3A_251 = arith.addi %scan3A_205, %add3A_250 : i32
          %mul3A_252 = arith.constant 128 : i32
          %mul3A_253 = arith.muli %add3A_251, %mul3A_252 : i32
          %add3A_254 = arith.addi %mul3A_2, %mul3A_253 : i32
          %dma_start3A_255 = arith.constant 0 : i32
          %dma_start3A_256 = arith.constant 0 : i32
          %dma_start3A_257 = tpu.memref_slice %arg7[%rem3A_206, %dma_start3A_255, %dma_start3A_256] : memref<2x56x128xi32, #tpu.memory_space<vmem>> -> memref<1x52x128xi32, #tpu.memory_space<vmem>>
          %dma_start3A_258 = tpu.memref_squeeze %dma_start3A_257 : memref<1x52x128xi32, #tpu.memory_space<vmem>> -> memref<52x128xi32, #tpu.memory_space<vmem>>
          %dma_start3A_259 = arith.constant 48 : i32
          %dma_start3A_260 = tpu.memref_slice %arg2[%dma_start3A_259, %add3A_254] : memref<100x16384xi32, #tpu.memory_space<hbm>> -> memref<52x128xi32, #tpu.memory_space<hbm>>
          %dma_start3A_261 = arith.constant 0 : i32
          %dma_start3A_262 = arith.constant 0 : i32
          %dma_start3A_263 = tpu.memref_slice %arg7[%rem3A_206, %dma_start3A_261, %dma_start3A_262] : memref<2x56x128xi32, #tpu.memory_space<vmem>> -> memref<1x52x128xi32, #tpu.memory_space<vmem>>
          %dma_start3A_264 = tpu.memref_squeeze %dma_start3A_263 : memref<1x52x128xi32, #tpu.memory_space<vmem>> -> memref<52x128xi32, #tpu.memory_space<vmem>>
          %dma_start3A_265 = arith.constant 48 : i32
          %dma_start3A_266 = tpu.memref_slice %arg2[%dma_start3A_265, %add3A_254] : memref<100x16384xi32, #tpu.memory_space<hbm>> -> memref<52x128xi32, #tpu.memory_space<hbm>>
          tpu.enqueue_dma source(%dma_start3A_266 : memref<52x128xi32, #tpu.memory_space<hbm>>) target(%dma_start3A_264 : memref<52x128xi32, #tpu.memory_space<vmem>>) target_semaphore(%arg10 : memref<!tpu.dma_semaphore, #tpu.memory_space<semaphore_mem>>)
        } else {
        }
        %eq3A_245 = arith.constant 1 : i32
        %eq3A_246 = arith.cmpi eq, %rem3A_206, %eq3A_245 : i32
        %convert_element_type3A_247 = arith.extui %eq3A_246 : i1 to i32
        %cond3A_248 = arith.constant 0 : i32
        %cond3A_249 = arith.cmpi ne, %convert_element_type3A_247, %cond3A_248 : i32
        scf.if %cond3A_249 {
          %add3A_250 = arith.constant 2 : i32
          %add3A_251 = arith.addi %scan3A_205, %add3A_250 : i32
          %mul3A_252 = arith.constant 128 : i32
          %mul3A_253 = arith.muli %add3A_251, %mul3A_252 : i32
          %add3A_254 = arith.addi %mul3A_2, %mul3A_253 : i32
          %dma_start3A_255 = arith.constant 0 : i32
          %dma_start3A_256 = arith.constant 0 : i32
          %dma_start3A_257 = tpu.memref_slice %arg7[%rem3A_206, %dma_start3A_255, %dma_start3A_256] : memref<2x56x128xi32, #tpu.memory_space<vmem>> -> memref<1x52x128xi32, #tpu.memory_space<vmem>>
          %dma_start3A_258 = tpu.memref_squeeze %dma_start3A_257 : memref<1x52x128xi32, #tpu.memory_space<vmem>> -> memref<52x128xi32, #tpu.memory_space<vmem>>
          %dma_start3A_259 = arith.constant 48 : i32
          %dma_start3A_260 = tpu.memref_slice %arg2[%dma_start3A_259, %add3A_254] : memref<100x16384xi32, #tpu.memory_space<hbm>> -> memref<52x128xi32, #tpu.memory_space<hbm>>
          %dma_start3A_261 = arith.constant 0 : i32
          %dma_start3A_262 = arith.constant 0 : i32
          %dma_start3A_263 = tpu.memref_slice %arg7[%rem3A_206, %dma_start3A_261, %dma_start3A_262] : memref<2x56x128xi32, #tpu.memory_space<vmem>> -> memref<1x52x128xi32, #tpu.memory_space<vmem>>
          %dma_start3A_264 = tpu.memref_squeeze %dma_start3A_263 : memref<1x52x128xi32, #tpu.memory_space<vmem>> -> memref<52x128xi32, #tpu.memory_space<vmem>>
          %dma_start3A_265 = arith.constant 48 : i32
          %dma_start3A_266 = tpu.memref_slice %arg2[%dma_start3A_265, %add3A_254] : memref<100x16384xi32, #tpu.memory_space<hbm>> -> memref<52x128xi32, #tpu.memory_space<hbm>>
          tpu.enqueue_dma source(%dma_start3A_266 : memref<52x128xi32, #tpu.memory_space<hbm>>) target(%dma_start3A_264 : memref<52x128xi32, #tpu.memory_space<vmem>>) target_semaphore(%arg11 : memref<!tpu.dma_semaphore, #tpu.memory_space<semaphore_mem>>)
        } else {
        }
      } else {
      }
    }
    %scan3A_174 = arith.constant 4 : i32
    %add3A_175 = arith.constant 256 : i32
    %add3A_176 = arith.addi %mul3A_2, %add3A_175 : i32
    %dma_wait3A_177 = arith.constant 0 : i32
    %dma_wait3A_178 = arith.constant 0 : i32
    %dma_wait3A_179 = arith.constant 0 : i32
    %dma_wait3A_180 = tpu.memref_slice %arg8[%dma_wait3A_177, %dma_wait3A_178, %dma_wait3A_179] : memref<2x56x128xf32, #tpu.memory_space<vmem>> -> memref<1x52x128xf32, #tpu.memory_space<vmem>>
    %dma_wait3A_181 = tpu.memref_squeeze %dma_wait3A_180 : memref<1x52x128xf32, #tpu.memory_space<vmem>> -> memref<52x128xf32, #tpu.memory_space<vmem>>
    %dma_wait3A_182 = arith.constant 48 : i32
    %dma_wait3A_183 = tpu.memref_slice %arg4[%dma_wait3A_182, %add3A_176] : memref<100x16384xf32, #tpu.memory_space<hbm>> -> memref<52x128xf32, #tpu.memory_space<hbm>>
    %dma_wait3A_184 = arith.constant 48 : i32
    %dma_wait3A_185 = tpu.memref_slice %arg4[%dma_wait3A_184, %add3A_176] : memref<100x16384xf32, #tpu.memory_space<hbm>> -> memref<52x128xf32, #tpu.memory_space<hbm>>
    %dma_wait3A_186 = arith.constant 0 : i32
    %dma_wait3A_187 = arith.constant 0 : i32
    %dma_wait3A_188 = tpu.memref_slice %arg8[%dma_wait3A_177, %dma_wait3A_186, %dma_wait3A_187] : memref<2x56x128xf32, #tpu.memory_space<vmem>> -> memref<1x52x128xf32, #tpu.memory_space<vmem>>
    %dma_wait3A_189 = tpu.memref_squeeze %dma_wait3A_188 : memref<1x52x128xf32, #tpu.memory_space<vmem>> -> memref<52x128xf32, #tpu.memory_space<vmem>>
    tpu.wait_dma2 semaphore(%arg12 : memref<!tpu.dma_semaphore, #tpu.memory_space<semaphore_mem>>) src(%dma_wait3A_189 : memref<52x128xf32, #tpu.memory_space<vmem>>) dst(%dma_wait3A_185 : memref<52x128xf32, #tpu.memory_space<hbm>>)
    %add3A_190 = arith.constant 384 : i32
    %add3A_191 = arith.addi %mul3A_2, %add3A_190 : i32
    %dma_wait3A_192 = arith.constant 1 : i32
    %dma_wait3A_193 = arith.constant 0 : i32
    %dma_wait3A_194 = arith.constant 0 : i32
    %dma_wait3A_195 = tpu.memref_slice %arg8[%dma_wait3A_192, %dma_wait3A_193, %dma_wait3A_194] : memref<2x56x128xf32, #tpu.memory_space<vmem>> -> memref<1x52x128xf32, #tpu.memory_space<vmem>>
    %dma_wait3A_196 = tpu.memref_squeeze %dma_wait3A_195 : memref<1x52x128xf32, #tpu.memory_space<vmem>> -> memref<52x128xf32, #tpu.memory_space<vmem>>
    %dma_wait3A_197 = arith.constant 48 : i32
    %dma_wait3A_198 = tpu.memref_slice %arg4[%dma_wait3A_197, %add3A_191] : memref<100x16384xf32, #tpu.memory_space<hbm>> -> memref<52x128xf32, #tpu.memory_space<hbm>>
    %dma_wait3A_199 = arith.constant 48 : i32
    %dma_wait3A_200 = tpu.memref_slice %arg4[%dma_wait3A_199, %add3A_191] : memref<100x16384xf32, #tpu.memory_space<hbm>> -> memref<52x128xf32, #tpu.memory_space<hbm>>
    %dma_wait3A_201 = arith.constant 0 : i32
    %dma_wait3A_202 = arith.constant 0 : i32
    %dma_wait3A_203 = tpu.memref_slice %arg8[%dma_wait3A_192, %dma_wait3A_201, %dma_wait3A_202] : memref<2x56x128xf32, #tpu.memory_space<vmem>> -> memref<1x52x128xf32, #tpu.memory_space<vmem>>
    %dma_wait3A_204 = tpu.memref_squeeze %dma_wait3A_203 : memref<1x52x128xf32, #tpu.memory_space<vmem>> -> memref<52x128xf32, #tpu.memory_space<vmem>>
    tpu.wait_dma2 semaphore(%arg13 : memref<!tpu.dma_semaphore, #tpu.memory_space<semaphore_mem>>) src(%dma_wait3A_204 : memref<52x128xf32, #tpu.memory_space<vmem>>) dst(%dma_wait3A_200 : memref<52x128xf32, #tpu.memory_space<hbm>>)
    return
  }
}

</mosaic_0001>

<sc_bundles>
// kernel: _run.3.cloned.1.call-start
scs
__scs_entry_jumppad:
0x0: {  	(pc) =	sbr.rel $0x88, $3  }
0x1: {  	(tag) =	ssettag $0x0;
	lr =	simm.s32 $0x1  }
0x2: {  	[smem:$0x3F9F] =	sst lr;
	_ =	strace $0xD0000000  }
0x3: {  	_ = 	snop  }
0x4: {  	_ = 	snop  }
0x5: {  	_ = 	snop  }
0x6: {  	_ = 	snop  }
0x7: {  	_ = 	snop  }
__scs_overlays_trampoline_lowered:
0x8: {  	[smem:$0x3FAE] =	sst s0  }
0x9: {  	[smem:$0x3FAF] =	sst s1  }
0xa: {  	[smem:$0x3FB0] =	sst s2  }
0xb: {  	[smem:$0x3FB1] =	sst s3  }
0xc: {  	[smem:$0x3FB2] =	sst s4  }
0xd: {  	[smem:$0x3FB3] =	sst s5  }
0xe: {  	[smem:$0x3FB4] =	sst s6  }
0xf: {  	[smem:$0x3FB5] =	sst s7  }
0x10: {  	[smem:$0x3FB6] =	sst s8  }
0x11: {  	[smem:$0x3FB7] =	sst s9;
	s0 =	simm.s32 @!p0 $0x0  }
0x12: {  	s1 =	sld [smem:$0x3F9D];
	s0 =	simm.s32 @p0 $0x1  }
0x13: {  	[smem:$0x3FB8] =	sst s0;
	s0 =	simm.s32 @!p1 $0x0  }
0x14: {  	s2 =	sld [smem:$0x3F9C];
	s0 =	simm.s32 @p1 $0x1  }
0x15: {  	[smem:$0x3FB9] =	sst s0;
	s0 =	simm.s32 @!p2 $0x0  }
0x16: {  	s3 =	sld [smem:$0x3FDB];
	s0 =	simm.s32 @p2 $0x1  }
0x17: {  	s4 =	simm.s32 $0x1BF5;
	[smem:$0x3FBB] =	sst s0  }
0x18: {  	s0 =	sld [smem:$0x3F9E];
	_ =	swait.ge [sflag:s4], $0x0  }
0x19: {  	s7 =	sld [smem:$0x3F9F]  }
0x1a: {  	s8 =	sadd.s32 $0xFFFFE003, lr  }
0x1b: {  	s9 =	sadd.s32 $0xFFFFFEF7, lr;
	s5 =	simm.s32 $0xFFFFFFFF;
	p2 =	slt.u32 s8, $0xFFFFF086  }
0x1c: {  	p1 =	slt.u32 s9, $0xF7A;
	s5 =	simm.s32 @!p2 $0x0  }
0x1d: {  	s5 =	simm.s32 @p1 $0x1;
	p0 =	seq.s32 s7, s2  }
0x1e: {  	s7 =	smul.u32 @!p0 $0xF7A, s2;
	p2 =	seq.s32 @!p0 s5, $0x0  }
0x1f: {  	s9 =	smul.u32 $0xF7A, s1;
	s8 =	simm.s32 @!p0 $0x1BF5;
	p2 =	por !p2, p0  }
0x20: {  	[sflag:s8] =	ssyncset.s32 @!p0 $0xFFFFF086;
	s6 =	sadd.s32 @!p0 s3, s7;
	s7 =	simm.s32 @!p0 $0x108  }
0x21: {  	s3 =	sadd.s32 s3, s9;
	s6 =	sadd.s32 @!p0 $0x88, s6;
	s7 =	simm.s32 @p2 $0x1082  }
0x22: {  	[simem:s7], [sflag:s8] =	dma.local @!p0 [hbm:s6], $0xF7A  }
0x23: {  	s9 =	sor.u32 $0xD0000000, s2;
	s6 =	simm.s32 $0x108;
	_ =	swait.ge @!p0 [sflag:s8], $0x0  }
0x24: {  	s3 =	sadd.s32 $0x88, s3;
	s6 =	simm.s32 @!p1 $0x1082;
	[sflag:s4] =	ssyncset.s32 $0xFFFFF086  }
0x25: {  	[simem:s6], [sflag:s4] =	dma.local [hbm:s3], $0xF7A  }
0x26: {  	[smem:$0x3F9F] =	sst s1;
	(tag) =	ssettag s2;
	_ =	strace s9  }
0x27: {  	s1 =	sld [smem:$0x3FAF]  }
0x28: {  	s2 =	sld [smem:$0x3FB0]  }
0x29: {  	s4 =	sld [smem:$0x3FB2]  }
0x2a: {  	p0 =	seq.s32 s5, $0x0;
	s5 =	sld [smem:$0x3FB3]  }
0x2b: {  	s6 =	sld [smem:$0x3FB4]  }
0x2c: {  	s7 =	sld [smem:$0x3FB5]  }
0x2d: {  	s3 =	simm.s32 $0x108;
	s8 =	sld [smem:$0x3FB6]  }
0x2e: {  	s3 =	simm.s32 @!p0 $0x1082;
	s9 =	sld [smem:$0x3FB7]  }
0x2f: {  	lr =	sadd.s32 s0, s3;
	s0 =	sld [smem:$0x3FAE]  }
0x30: {  	s3 =	sld [smem:$0x3FB1]  }
0x31: {  	[smem:$0x3FBA] =	sst s10  }
0x32: {  	s10 =	sld [smem:$0x3FB8];
	_ =	sdelay $0x3  }
0x33: {  	p0 =	seq.s32 s10, $0x1;
	s10 =	sld [smem:$0x3FBA];
	_ =	sdelay $0x3  }
0x34: {  	[smem:$0x3FBA] =	sst s10  }
0x35: {  	s10 =	sld [smem:$0x3FB9];
	_ =	sdelay $0x3  }
0x36: {  	p1 =	seq.s32 s10, $0x1;
	s10 =	sld [smem:$0x3FBA];
	_ =	sdelay $0x3  }
0x37: {  	[smem:$0x3FBA] =	sst s10  }
0x38: {  	s10 =	sld [smem:$0x3FBB]  }
0x39: {  	_ = 	snop;
	(pc) =	sbr.ind lr, $3  }
0x3a: {  	_ = 	snop  }
0x3b: {  	_ = 	snop  }
0x3c: {  	p2 =	seq.s32 s10, $0x1;
	s10 =	sld [smem:$0x3FBA]  }
0x3d: {  	_ =	shalt  }
0x3e: {  	_ =	shalt  }
0x3f: {  	_ =	shalt  }
0x40: {  	_ =	shalt  }
0x41: {  	_ =	shalt  }
0x42: {  	_ =	shalt  }
0x43: {  	_ =	shalt  }
0x44: {  	_ =	shalt  }
0x45: {  	_ =	shalt  }
0x46: {  	_ =	shalt  }
0x47: {  	_ =	shalt  }
0x48: {  	_ =	shalt  }
0x49: {  	_ =	shalt  }
0x4a: {  	_ =	shalt  }
0x4b: {  	_ =	shalt  }
0x4c: {  	_ =	shalt  }
0x4d: {  	_ =	shalt  }
0x4e: {  	_ =	shalt  }
0x4f: {  	_ =	shalt  }
0x50: {  	_ =	shalt  }
0x51: {  	_ =	shalt  }
0x52: {  	_ =	shalt  }
0x53: {  	_ =	shalt  }
0x54: {  	_ =	shalt  }
0x55: {  	_ =	shalt  }
0x56: {  	_ =	shalt  }
0x57: {  	_ =	shalt  }
0x58: {  	_ =	shalt  }
0x59: {  	_ =	shalt  }
0x5a: {  	_ =	shalt  }
0x5b: {  	_ =	shalt  }
0x5c: {  	_ =	shalt  }
0x5d: {  	_ =	shalt  }
0x5e: {  	_ =	shalt  }
0x5f: {  	_ =	shalt  }
0x60: {  	_ =	shalt  }
0x61: {  	_ =	shalt  }
0x62: {  	_ =	shalt  }
0x63: {  	_ =	shalt  }
0x64: {  	_ =	shalt  }
0x65: {  	_ =	shalt  }
0x66: {  	_ =	shalt  }
0x67: {  	_ =	shalt  }
0x68: {  	_ =	shalt  }
0x69: {  	_ =	shalt  }
0x6a: {  	_ =	shalt  }
0x6b: {  	_ =	shalt  }
0x6c: {  	_ =	shalt  }
0x6d: {  	_ =	shalt  }
0x6e: {  	_ =	shalt  }
0x6f: {  	_ =	shalt  }
0x70: {  	_ =	shalt  }
0x71: {  	_ =	shalt  }
0x72: {  	_ =	shalt  }
0x73: {  	_ =	shalt  }
0x74: {  	_ =	shalt  }
0x75: {  	_ =	shalt  }
0x76: {  	_ =	shalt  }
0x77: {  	_ =	shalt  }
0x78: {  	_ =	shalt  }
0x79: {  	_ =	shalt  }
0x7a: {  	_ =	shalt  }
0x7b: {  	_ =	shalt  }
0x7c: {  	_ =	shalt  }
0x7d: {  	_ =	shalt  }
0x7e: {  	_ =	shalt  }
0x7f: {  	_ =	shalt  }
0x80: {  	_ =	shalt  }
0x81: {  	_ =	shalt  }
0x82: {  	_ =	shalt  }
0x83: {  	_ =	shalt  }
0x84: {  	_ =	shalt  }
0x85: {  	_ =	shalt  }
0x86: {  	_ =	shalt  }
0x87: {  	_ =	shalt  }
.Lfunc_end0:
.L_simem_size_0:
called_computation_lowered:
.L_overlay_start_0:
0x88: {  	s2 =	sld [smem:$0x3FD9]  }
0x89: {  	s3 =	sld [smem:$0x3FFE];
	_ =	sdelay $0x1  }
0x8a: {  	s1 =	srdreg.scid  }
0x8b: {  	s0 =	sand.u32 $0x1, s1  }
0x8c: {  	s18 =	sshll.u32 s0, $0xA;
	s2 =	sadd.s32 s3, s2  }
0x8d: {  	s2 =	sadd.s32 s2, s18  }
0x8e: {  	[smem:$0x3FC6] =	sst s2  }
0x8f: {  	_ = 	snop  }
0x90: {  	s2 =	sld [smem:$0x3FC9]  }
0x91: {  	s19 =	sld [smem:$0x3FC8]  }
0x92: {  	s4 =	sld [smem:$0x3FD0];
	(tm) =	ssettm $0x1  }
0x93: {  	s5 =	sld [smem:$0x3FFB];
	_ =	sdelay $0x3  }
0x94: {  	_ =	strace s5  }
0x95: {  	s5 =	sld [smem:$0x3FFC];
	_ =	sdelay $0x3  }
0x96: {  	_ =	strace s5  }
0x97: {  	s5 =	sld [smem:$0x3FFD];
	_ =	sdelay $0x3  }
0x98: {  	_ =	strace s5  }
0x99: {  	_ =	strace $0x8FFFFFFF  }
0x9a: {  	s20 =	sld [smem:$0x3FDB];
	_ =	sdelay $0x1  }
0x9b: {  	s6 =	simm.s32 $_scs_section_size  }
0x9c: {  	s7 =	simm.s32 $_size__tile_overlayer_lowered;
	s8 =	simm.s32 $_tile_overlayer_lowered  }
0x9d: {  	s23 =	simm.s32 $0x1BFF;
	s22 =	sshll.u32 s8, $0x1;
	s5 =	sadd.s32 s6, s20  }
0x9e: {  	s9 =	simm.s32 $0x0;
	s21 =	sshll.u32 s7, $0x1;
	s7 =	sadd.s32 s22, s5  }
0x9f: {  	[timem:s9], [sflag:s23] =	dma.local [hbm:s7], s21  }
0xa0: {  	_ =	swait.ge [sflag:s23], s21  }
0xa1: {  	s6 =	ssub.s32 $0x0, s21;
	[sflag:s23] =	ssyncset.done $0x0  }
0xa2: {  	[sflag:s23] =	ssyncadd.s32 s6;
	_ =	sdelay $0x1  }
0xa3: {  	s24 =	simm.s32 $0x1B8B  }
0xa4: {  	_ =	swait.ge [sflag:s24], $0x1  }
0xa5: {  	[sflag:s24] =	ssyncset.done $0x0  }
0xa6: {  	s25 =	simm.s32 $0x1B8E;
	[sflag:s24] =	ssyncadd.s32 $0xFFFFFFFF  }
0xa7: {  	s26 =	simm.s32 $execute0_lowered;
	[smem:$0x3FD2] =	sst s25  }
0xa8: {  	s6 =	sshll.u32 s26, $0x1;
	_ =	strace $0x80000046;
	[dreg:$0x1] =	wrdreg $0xFFFFFFFF  }
0xa9: {  	s28 =	simm.s32 $_size_execute0_lowered;
	s5 =	sadd.s32 s5, s6;
	[dreg:$0x0] =	wrdreg $0x0  }
0xaa: {  	s6 =	sshll.u32 s28, $0x1;
	[dreg:$0x2] =	wrdreg s5  }
0xab: {  	[dreg:$0x3] =	wrdreg s6  }
0xac: {  	[dreg:$0x4] =	wrdreg $0xC0  }
0xad: {  	_ =	task [dreg:s9], $0x5FFFF  }
0xae: {  	[dreg:$0x1] =	wrdreg $0xFFFFFFFF  }
0xaf: {  	[dreg:$0x0] =	wrdreg $0x60  }
0xb0: {  	[dreg:$0x2] =	wrdreg s2  }
0xb1: {  	[dreg:$0x3] =	wrdreg s19  }
0xb2: {  	[dreg:$0x4] =	wrdreg s4  }
0xb3: {  	[dreg:$0x5] =	wrdreg $0x1A8800  }
0xb4: {  	[dreg:$0x6] =	wrdreg $0x9  }
0xb5: {  	_ =	task.clear_ibuf [dreg:s9], $0x7FFFF;
	_ =	strace $0x90000046  }
0xb6: {  	s29 =	simm.s32 $0x9;
	_ =	strace $0x80000048  }
0xb7: {  	_ =	swait.ge [sflag:s29], $0x1  }
0xb8: {  	[sflag:s29] =	ssyncadd.s32 $0xFFFFFFFF  }
0xb9: {  	_ =	strace $0x90000048  }
0xba: {  	_ =	sfence  }
0xbb: {  	s30 =	sld [smem:$0x0];
	_ =	sdelay $0x2  }
0xbc: {  	s31 =	sshll.u32 s1, $0xD;
	s1 =	sshrl.u32 s1, $0x2  }
0xbd: {  	s3 =	sand.u32 $0x4000, s31;
	s1 =	sadd.s32 s1, s30  }
0xbe: {  	s0 =	sor.u32 s3, s0;
	s1 =	sshll.u32 s1, $0x11  }
0xbf: {  	s0 =	sor.u32 s1, s0  }
0xc0: {  	s0 =	sadd.s32 $0x8F2B, s0  }
0xc1: {  	[sflag:s0] =	ssyncadd.remote.s32 $0x1  }
0xc2: {  	_ =	sfence.sel $0xFFFF  }
0xc3: {  	[dreg:$0x0] =	wrdreg $0xFFFFFFFF;
	(pc) =	sbr.abs _section_cstart, $3  }
0xc4: {  	[dreg:$0x1] =	wrdreg $0xFFFFFFFF  }
0xc5: {  	_ =	task.clear_ibuf [dreg:s9], $0x2FFFF;
	_ =	strace $0x9FFFFFFF  }
0xc6: {  	(tm) =	ssettm $0x7FFFFFFF  }
0xc7: {  	_ =	shalt  }
tec
execute0_lowered:
.L_overlay_start_1:
0x0: {  	(tag) =	ssettag $0x1  }
0x1: {  	s0 =	rddreg [dreg:$0x0]  }
0x2: {  	s1 =	rddreg [dreg:$0x2]  }
0x3: {  	s8 =	rddreg [dreg:$0x3];
	s2 =	srdreg.scid  }
0x4: {  	s3 =	simm.s32 $0x0;
	s4 =	stileid.u32;
	s2 =	sand.u32 $0x1, s2  }
0x5: {  	s6 =	sshll.u32 s4, $0xA;
	s5 =	ssub.s32 $0x2, s2;
	s2 =	sshll.u32 s2, $0x9  }
0x6: {  	[smem:$0x7FF] =	sst s3;
	s24 =	sadd.s32 $0x9600, s8;
	s2 =	sor.u32 s2, s6  }
0x7: {  	_ =	strace $0x80000047;
	[dreg:$0x7] =	wrdreg s24;
	s1 =	sadd.s32 s1, s2  }
0x8: {  	s0 =	sadd.s32 s0, s2;
	[dreg:$0x8] =	wrdreg s1  }
0x9: {  	s23 =	sadd.s32 $0x80, s0;
	[dreg:$0x5] =	wrdreg s0  }
0xa: {  	s22 =	simm.s32 $0x9600;
	s25 =	sadd.s32 $0x180, s0;
	[dreg:$0x6] =	wrdreg s23  }
0xb: {  	s30 =	simm.s32 $0x2;
	s26 =	sadd.s32 $0x100, s0;
	[dreg:$0x9] =	wrdreg s25  }
0xc: {  	p0 =	sne.s32 s4, $0x0;
	s28 =	sadd.s32 $0x18000, s0;
	[dreg:$0xa] =	wrdreg s26  }
0xd: {  	s7 =	sshrl.u32 s5, $0x1;
	s29 =	sadd.s32 $0x18080, s0;
	[dreg:$0xb] =	wrdreg s28  }
0xe: {  	v0 =	vlaneseq.u32;
	s5 =	ssub.s32 s5, s7;
	s1 =	sadd.s32 $0x18000, s1;
	[dreg:$0xc] =	wrdreg s29  }
0xf: {  	v0 =	vmul.u32 $0x320, v0;
	s13 =	sadd.s32 $0x18180, s0;
	s31 =	smax.u32 s5, $0x1;
	[dreg:$0xd] =	wrdreg s1  }
0x10: {  	v1 =	vimm.f32 $0.0e+00;
	s14 =	sadd.s32 $0x18100, s0;
	s0 =	sshrl.u32 @!p0 s8, $0x3;
	[dreg:$0xe] =	wrdreg s31  }
0x11: {  	v2 =	vadd.s32 $0x3200, v0;
	v3 =	vadd.s32 $0x6400, v0;
	v4 =	vadd.s32 $0x9600, v0;
	s2 =	simm.s32 $0x0;
	[dreg:$0xf] =	wrdreg s0;
	s23 =	simm.s32 $0x1  }
.LBB2_1:
0x12: {  	[dreg:$0x10] =	wrdreg s2  }
0x13: {  	s0 =	rddreg [dreg:$0x5];
	s1 =	simm.s32 $0x400  }
0x14: {  	s24 =	simm.s32 $0x20000;
	s4 =	simm.s32 $0x13880;
	s25 =	rddreg [dreg:$0x6]  }
0x15: {  	[tilespmem:s4], [sflag:$0x1] =	stream.strided.gather [hbm4b:s0+s1], $0x1800, s24, s1, $0x38;
	[tilespmem:$0x1BC08] =	vst v63  }
0x16: {  	s26 =	simm.s32 $0x15480;
	s2 =	rddreg [dreg:$0xf]  }
0x17: {  	[tilespmem:s26], [sflag:$0x2] =	stream.strided.gather [hbm4b:s25+s1], $0x1800, s24, s1, $0x38;
	[tilespmem:$0x1BC08] =	vst v63  }
0x18: {  	s0 =	simm.s32 @!p0 $0x1C06;
	s1 =	rddreg [dreg:$0x1]  }
0x19: {  	[spmem:s2], [sflag:s0] =	dma.local @!p0 [hbm:s1], $0x2710  }
0x1a: {  	s0 =	simm.s32 @!p0 $0x6  }
0x1b: {  	_ =	swait.ge @!p0 [sflag:s0], $0x2710  }
0x1c: {  	[sflag:s0] =	ssyncset.done @!p0 $0x0  }
0x1d: {  	[sflag:s0] =	ssyncadd.s32 @!p0 $0xFFFFD8F0  }
0x1e: {  	[bflag:$0x0] =	sbarrier.arrive $0xFFFF  }
0x1f: {  	s29 =	simm.s32 $0x6;
	s28 =	rddreg [dreg:$0x3]  }
0x20: {  	[tilespmem:s3], [sflag:$0x6] =	stream.linear.gather [spmem:s28], $0x9600, $0x38;
	[tilespmem:$0x1BC08] =	vst v63  }
0x21: {  	_ =	swait.ge [sflag:s29], $0x9600  }
0x22: {  	[sflag:s29] =	ssyncset.done $0x0  }
0x23: {  	s31 =	rddreg [dreg:$0x7];
	[sflag:s29] =	ssyncadd.s32 $0xFFFF6A00  }
0x24: {  	[tilespmem:s22], [sflag:$0x5] =	stream.linear.gather [spmem:s31], $0xA280, $0x38;
	[tilespmem:$0x1BC08] =	vst v63  }
0x25: {  	[tilespmem:v0+s3+$0x0] =	vst.idx.msk $0xffff, v1  }
0x26: {  	[tilespmem:v2+s3+$0x0] =	vst.idx.msk $0xffff, v1  }
0x27: {  	p1 =	por $0x0, $0x0;
	s0 =	simm.s32 $0x0;
	[tilespmem:v3+s3+$0x0] =	vst.idx.msk $0xffff, v1  }
.LBB2_2:
0x28: {  	s1 =	sand.u32 $0x1, s0  }
0x29: {  	p2 =	seq.s32 s1, $0x1  }
.Ltmp0:
0x2a: {  	_ = 	snop;
	(pc) =	sbr.rel @p2 .LBB2_4-.Ltmp0, $1  }
0x2b: {  	_ =	sdelay $0x3  }
0x2c: {  	p2 =	sgt.u32 s0, $0x1  }
.Ltmp1:
0x2d: {  	_ = 	snop;
	(pc) =	sbr.rel @p2 .LBB2_5-.Ltmp1, $4  }
.Ltmp2:
0x2e: {  	_ = 	snop;
	(pc) =	sbr.rel @!p2 .LBB2_6-.Ltmp2, $4  }
0x2f: {  	_ =	swait.ge [sflag:s23], $0x1800  }
0x30: {  	[sflag:s23] =	ssyncset.done $0x0  }
0x31: {  	s2 =	simm.s32 $0x3;
	[sflag:s23] =	ssyncadd.s32 $0xFFFFE800  }
0x32: {  	_ = 	snop  }
.LBB2_4:
0x33: {  	p2 =	slt.u32 s0, $0x2  }
.Ltmp3:
0x34: {  	_ = 	snop;
	(pc) =	sbr.rel @p2 .LBB2_6-.Ltmp3, $4  }
0x35: {  	_ = 	snop  }
0x36: {  	_ =	swait.ge [sflag:s30], $0x1800  }
0x37: {  	[sflag:s30] =	ssyncset.done $0x0  }
0x38: {  	s2 =	simm.s32 $0x4;
	[sflag:s30] =	ssyncadd.s32 $0xFFFFE800  }
.LBB2_5:
0x39: {  	_ =	swait.ge [sflag:s2], $0x1800  }
0x3a: {  	[sflag:s2] =	ssyncset.done $0x0  }
0x3b: {  	[sflag:s2] =	ssyncadd.s32 $0xFFFFE800  }
.LBB2_6:
0x3c: {  	s2 =	simm.s32 $0x1  }
0x3d: {  	s2 =	simm.s32 @!p1 $0x0  }
0x3e: {  	s2 =	smul.u32 $0x7000, s2;
	_ =	sdelay $0x1  }
0x3f: {  	s2 =	sshrl.u32 s2, $0x2  }
0x40: {  	s31 =	sadd.s32 $0x13900, s2  }
0x41: {  	v5 =	vld [tilespmem:s31+$0x0];
	_ =	sdelay $0x3  }
0x42: {  	s11 =	simm.s32 $0x320  }
0x43: {  	v5 =	vadd.s32 s11, v5;
	_ =	sdelay $0x4  }
0x44: {  	v5 =	vld.idx.msk [tilespmem:v5+s3+$0x0], $0xffff;
	_ =	sdelay $0x4  }
0x45: {  	s28 =	sadd.s32 $0x17100, s2;
	v5 =	vmax.f32 v5, $0.0e+00  }
0x46: {  	v6 =	vld [tilespmem:s31+$0xFFFFFF80];
	[tilespmem:s28+$0x0] =	vst v5  }
0x47: {  	v5 =	vld [tilespmem:s31+$0x10];
	_ =	sdelay $0x2  }
0x48: {  	s2 =	simm.s32 $0x0  }
0x49: {  	v6 =	vadd.s32 s2, v6  }
0x4a: {  	v5 =	vadd.s32 s11, v5;
	_ =	sdelay $0x3  }
0x4b: {  	v6 =	vld.idx.msk [tilespmem:v6+s3+$0x0], $0xffff  }
0x4c: {  	s19 =	sadd.s32 $0x100, s31;
	v5 =	vld.idx.msk [tilespmem:v5+s3+$0x0], $0xffff  }
0x4d: {  	v7 =	vld [tilespmem:s19+$0x0];
	_ =	sdelay $0x2  }
0x4e: {  	v6 =	vmax.f32 v6, $0.0e+00  }
0x4f: {  	s18 =	simm.s32 $0x960;
	[tilespmem:s28+$0xFFFFFF80] =	vst v6;
	v5 =	vmax.f32 v5, $0.0e+00  }
0x50: {  	v7 =	vadd.s32 s18, v7;
	v6 =	vld [tilespmem:s31+$0xFFFFFF90];
	[tilespmem:s28+$0x10] =	vst v5  }
0x51: {  	v5 =	vld [tilespmem:s31+$0x20];
	_ =	sdelay $0x3  }
0x52: {  	v7 =	vld.idx.msk [tilespmem:v7+s3+$0x0], $0xffff;
	v6 =	vadd.s32 s2, v6  }
0x53: {  	v8 =	vld [tilespmem:s19+$0xFFFFFF80];
	v5 =	vadd.s32 s11, v5;
	_ =	sdelay $0x3  }
0x54: {  	s5 =	simm.s32 $0x640;
	s29 =	sadd.s32 $0x100, s28;
	v7 =	vmax.f32 v7, $0.0e+00;
	v6 =	vld.idx.msk [tilespmem:v6+s3+$0x0], $0xffff  }
0x55: {  	v8 =	vadd.s32 s5, v8;
	[tilespmem:s29+$0x0] =	vst v7;
	v5 =	vld.idx.msk [tilespmem:v5+s3+$0x0], $0xffff  }
0x56: {  	v7 =	vld [tilespmem:s19+$0x10];
	_ =	sdelay $0x2  }
0x57: {  	v6 =	vmax.f32 v6, $0.0e+00  }
0x58: {  	[tilespmem:s28+$0xFFFFFF90] =	vst v6;
	v6 =	vld.idx.msk [tilespmem:v8+s3+$0x0], $0xffff;
	v5 =	vmax.f32 v5, $0.0e+00  }
0x59: {  	v7 =	vadd.s32 s18, v7;
	v8 =	vld [tilespmem:s31+$0xFFFFFFA0];
	[tilespmem:s28+$0x20] =	vst v5  }
0x5a: {  	v5 =	vld [tilespmem:s31+$0x30];
	_ =	sdelay $0x3  }
0x5b: {  	s15 =	sadd.s32 $0x100, s19;
	v7 =	vld.idx.msk [tilespmem:v7+s3+$0x0], $0xffff;
	v6 =	vmax.f32 v6, $0.0e+00;
	v8 =	vadd.s32 s2, v8  }
0x5c: {  	[tilespmem:s29+$0xFFFFFF80] =	vst v6;
	v6 =	vld [tilespmem:s15+$0x0];
	v5 =	vadd.s32 s11, v5  }
0x5d: {  	v9 =	vld [tilespmem:s19+$0xFFFFFF90];
	_ =	sdelay $0x2  }
0x5e: {  	s20 =	simm.s32 $0xFA0;
	v7 =	vmax.f32 v7, $0.0e+00;
	v8 =	vld.idx.msk [tilespmem:v8+s3+$0x0], $0xffff  }
0x5f: {  	[tilespmem:s29+$0x10] =	vst v7;
	v6 =	vadd.s32 s20, v6;
	v5 =	vld.idx.msk [tilespmem:v5+s3+$0x0], $0xffff  }
0x60: {  	v7 =	vld [tilespmem:s19+$0x20];
	v9 =	vadd.s32 s5, v9  }
0x61: {  	v10 =	vld [tilespmem:s15+$0xFFFFFF80];
	_ =	sdelay $0x1  }
0x62: {  	v8 =	vmax.f32 v8, $0.0e+00  }
0x63: {  	v6 =	vld.idx.msk [tilespmem:v6+s3+$0x0], $0xffff;
	[tilespmem:s28+$0xFFFFFFA0] =	vst v8;
	v5 =	vmax.f32 v5, $0.0e+00  }
0x64: {  	s4 =	simm.s32 $0xC80;
	v7 =	vadd.s32 s18, v7;
	v8 =	vld.idx.msk [tilespmem:v9+s3+$0x0], $0xffff;
	[tilespmem:s28+$0x30] =	vst v5  }
0x65: {  	v9 =	vadd.s32 s4, v10;
	v5 =	vld [tilespmem:s31+$0x40];
	_ =	sdelay $0x1  }
0x66: {  	v10 =	vld [tilespmem:s31+$0xFFFFFFB0];
	_ =	sdelay $0x1  }
0x67: {  	s6 =	sadd.s32 $0x100, s29;
	v7 =	vld.idx.msk [tilespmem:v7+s3+$0x0], $0xffff;
	v6 =	vmax.f32 v6, $0.0e+00  }
0x68: {  	v8 =	vmax.f32 v8, $0.0e+00;
	v9 =	vld.idx.msk [tilespmem:v9+s3+$0x0], $0xffff;
	[tilespmem:s6+$0x0] =	vst v6;
	v5 =	vadd.s32 s11, v5  }
0x69: {  	[tilespmem:s29+$0xFFFFFF90] =	vst v8;
	v8 =	vld [tilespmem:s15+$0x10]  }
0x6a: {  	v6 =	vadd.s32 s2, v10  }
0x6b: {  	v10 =	vld [tilespmem:s19+$0xFFFFFFA0]  }
0x6c: {  	v7 =	vmax.f32 v7, $0.0e+00  }
0x6d: {  	[tilespmem:s29+$0x20] =	vst v7;
	v7 =	vmax.f32 v9, $0.0e+00;
	v5 =	vld.idx.msk [tilespmem:v5+s3+$0x0], $0xffff  }
0x6e: {  	v9 =	vld [tilespmem:s19+$0x30];
	[tilespmem:s6+$0xFFFFFF80] =	vst v7;
	v7 =	vadd.s32 s20, v8  }
0x6f: {  	v6 =	vld.idx.msk [tilespmem:v6+s3+$0x0], $0xffff  }
0x70: {  	v8 =	vadd.s32 s5, v10  }
0x71: {  	s21 =	sadd.s32 $0x100, s15;
	v10 =	vld [tilespmem:s15+$0xFFFFFF90]  }
0x72: {  	v12 =	vld [tilespmem:s21+$0xFFFFFF80];
	v5 =	vmax.f32 v5, $0.0e+00  }
0x73: {  	v7 =	vld.idx.msk [tilespmem:v7+s3+$0x0], $0xffff;
	[tilespmem:s28+$0x40] =	vst v5  }
0x74: {  	v6 =	vmax.f32 v6, $0.0e+00;
	v5 =	vadd.s32 s18, v9;
	v9 =	vld [tilespmem:s31+$0x50]  }
0x75: {  	[tilespmem:s28+$0xFFFFFFB0] =	vst v6;
	v6 =	vld.idx.msk [tilespmem:v8+s3+$0x0], $0xffff  }
0x76: {  	v8 =	vadd.s32 s4, v10;
	v10 =	vld [tilespmem:s31+$0xFFFFFFC0];
	_ =	sdelay $0x1  }
0x77: {  	v11 =	vld [tilespmem:s21+$0x0]  }
0x78: {  	s16 =	simm.s32 $0x12C0;
	v9 =	vadd.s32 s11, v9  }
0x79: {  	v12 =	vadd.s32 s16, v12;
	v7 =	vmax.f32 v7, $0.0e+00;
	v5 =	vld.idx.msk [tilespmem:v5+s3+$0x0], $0xffff  }
0x7a: {  	v6 =	vmax.f32 v6, $0.0e+00;
	v8 =	vld.idx.msk [tilespmem:v8+s3+$0x0], $0xffff;
	[tilespmem:s6+$0x10] =	vst v7;
	v7 =	vadd.s32 s2, v10  }
0x7b: {  	s17 =	simm.s32 $0x15E0;
	[tilespmem:s29+$0xFFFFFFA0] =	vst v6;
	v6 =	vld [tilespmem:s15+$0x20]  }
0x7c: {  	v11 =	vadd.s32 s17, v11;
	v10 =	vld [tilespmem:s19+$0xFFFFFFB0]  }
0x7d: {  	v9 =	vld.idx.msk [tilespmem:v9+s3+$0x0], $0xffff  }
0x7e: {  	v12 =	vld.idx.msk [tilespmem:v12+s3+$0x0], $0xffff;
	v5 =	vmax.f32 v5, $0.0e+00  }
0x7f: {  	v7 =	vld.idx.msk [tilespmem:v7+s3+$0x0], $0xffff;
	[tilespmem:s29+$0x30] =	vst v5  }
0x80: {  	v8 =	vmax.f32 v8, $0.0e+00;
	v6 =	vadd.s32 s20, v6;
	v5 =	vld [tilespmem:s19+$0x40]  }
0x81: {  	[tilespmem:s6+$0xFFFFFF90] =	vst v8;
	v8 =	vld.idx.msk [tilespmem:v11+s3+$0x0], $0xffff  }
0x82: {  	v10 =	vadd.s32 s5, v10;
	v9 =	vmax.f32 v9, $0.0e+00  }
0x83: {  	v11 =	vld [tilespmem:s15+$0xFFFFFFA0];
	[tilespmem:s28+$0x50] =	vst v9  }
0x84: {  	s26 =	sadd.s32 $0x100, s6;
	v12 =	vmax.f32 v12, $0.0e+00;
	v9 =	vld [tilespmem:s31+$0x60]  }
0x85: {  	[tilespmem:s26+$0xFFFFFF80] =	vst v12;
	v6 =	vld.idx.msk [tilespmem:v6+s3+$0x0], $0xffff;
	v7 =	vmax.f32 v7, $0.0e+00;
	v5 =	vadd.s32 s18, v5  }
0x86: {  	v12 =	vld [tilespmem:s21+$0xFFFFFF90];
	v8 =	vmax.f32 v8, $0.0e+00;
	[tilespmem:s28+$0xFFFFFFC0] =	vst v7  }
0x87: {  	v7 =	vld.idx.msk [tilespmem:v10+s3+$0x0], $0xffff;
	[tilespmem:s26+$0x0] =	vst v8  }
0x88: {  	v11 =	vadd.s32 s4, v11;
	v8 =	vld [tilespmem:s21+$0x10]  }
0x89: {  	v10 =	vld [tilespmem:s31+$0xFFFFFFD0];
	v9 =	vadd.s32 s11, v9  }
0x8a: {  	v6 =	vmax.f32 v6, $0.0e+00;
	v5 =	vld.idx.msk [tilespmem:v5+s3+$0x0], $0xffff  }
0x8b: {  	[tilespmem:s6+$0x20] =	vst v6  }
0x8c: {  	v7 =	vmax.f32 v7, $0.0e+00;
	v6 =	vld [tilespmem:s15+$0x30]  }
0x8d: {  	v8 =	vadd.s32 s17, v8;
	[tilespmem:s29+$0xFFFFFFB0] =	vst v7;
	v7 =	vld.idx.msk [tilespmem:v11+s3+$0x0], $0xffff  }
0x8e: {  	s10 =	sadd.s32 $0x100, s21;
	v10 =	vadd.s32 s2, v10;
	v9 =	vld.idx.msk [tilespmem:v9+s3+$0x0], $0xffff  }
0x8f: {  	v13 =	vld [tilespmem:s10+$0x0];
	v12 =	vadd.s32 s16, v12;
	v5 =	vmax.f32 v5, $0.0e+00  }
0x90: {  	v11 =	vld [tilespmem:s19+$0xFFFFFFC0];
	[tilespmem:s29+$0x40] =	vst v5  }
0x91: {  	v5 =	vadd.s32 s20, v6;
	v6 =	vld [tilespmem:s19+$0x50]  }
0x92: {  	v8 =	vld.idx.msk [tilespmem:v8+s3+$0x0], $0xffff;
	v7 =	vmax.f32 v7, $0.0e+00  }
0x93: {  	v10 =	vld.idx.msk [tilespmem:v10+s3+$0x0], $0xffff;
	[tilespmem:s6+$0xFFFFFFA0] =	vst v7;
	v9 =	vmax.f32 v9, $0.0e+00  }
0x94: {  	v7 =	vld.idx.msk [tilespmem:v12+s3+$0x0], $0xffff;
	[tilespmem:s28+$0x60] =	vst v9  }
0x95: {  	v11 =	vadd.s32 s5, v11;
	v9 =	vld [tilespmem:s31+$0x70]  }
0x96: {  	v5 =	vld.idx.msk [tilespmem:v5+s3+$0x0], $0xffff;
	v6 =	vadd.s32 s18, v6  }
0x97: {  	v14 =	vld [tilespmem:s10+$0xFFFFFF80];
	v8 =	vmax.f32 v8, $0.0e+00  }
0x98: {  	[tilespmem:s26+$0x10] =	vst v8;
	v8 =	vld [tilespmem:s15+$0xFFFFFFB0]  }
0x99: {  	v10 =	vmax.f32 v10, $0.0e+00;
	v12 =	vld [tilespmem:s21+$0x20]  }
0x9a: {  	s24 =	simm.s32 $0x1C20;
	[tilespmem:s28+$0xFFFFFFD0] =	vst v10;
	v11 =	vld.idx.msk [tilespmem:v11+s3+$0x0], $0xffff;
	v7 =	vmax.f32 v7, $0.0e+00;
	v9 =	vadd.s32 s11, v9  }
0x9b: {  	v13 =	vadd.s32 s24, v13;
	[tilespmem:s26+$0xFFFFFF90] =	vst v7;
	v5 =	vmax.f32 v5, $0.0e+00;
	v6 =	vld.idx.msk [tilespmem:v6+s3+$0x0], $0xffff;
	s11 =	simm.s32 $0x1900  }
0x9c: {  	[tilespmem:s6+$0x30] =	vst v5;
	v5 =	vld [tilespmem:s31+$0xFFFFFFE0];
	v10 =	vadd.s32 s11, v14  }
0x9d: {  	v7 =	vld [tilespmem:s21+$0xFFFFFFA0]  }
0x9e: {  	v12 =	vadd.s32 s17, v12;
	v14 =	vld [tilespmem:s15+$0x40]  }
0x9f: {  	v15 =	vld.idx.msk [tilespmem:v9+s3+$0x0], $0xffff  }
0xa0: {  	v8 =	vadd.s32 s4, v8;
	v6 =	vmax.f32 v6, $0.0e+00;
	v9 =	vld.idx.msk [tilespmem:v13+s3+$0x0], $0xffff  }
0xa1: {  	v5 =	vadd.s32 s2, v5;
	[tilespmem:s29+$0x50] =	vst v6;
	v10 =	vld.idx.msk [tilespmem:v10+s3+$0x0], $0xffff  }
0xa2: {  	v11 =	vmax.f32 v11, $0.0e+00;
	v6 =	vld [tilespmem:s19+$0x60]  }
0xa3: {  	[tilespmem:s29+$0xFFFFFFC0] =	vst v11;
	v11 =	vld.idx.msk [tilespmem:v12+s3+$0x0], $0xffff;
	v12 =	vadd.s32 s20, v14  }
0xa4: {  	v13 =	vld [tilespmem:s19+$0xFFFFFFD0]  }
0xa5: {  	s25 =	sadd.s32 $0x100, s26;
	v8 =	vld.idx.msk [tilespmem:v8+s3+$0x0], $0xffff;
	v9 =	vmax.f32 v9, $0.0e+00  }
0xa6: {  	v7 =	vadd.s32 s16, v7;
	v5 =	vld.idx.msk [tilespmem:v5+s3+$0x0], $0xffff;
	[tilespmem:s25+$0x0] =	vst v9  }
0xa7: {  	v6 =	vadd.s32 s18, v6;
	v10 =	vmax.f32 v10, $0.0e+00;
	v9 =	vld [tilespmem:s10+$0x10]  }
0xa8: {  	v12 =	vld.idx.msk [tilespmem:v12+s3+$0x0], $0xffff;
	[tilespmem:s25+$0xFFFFFF80] =	vst v10;
	v10 =	vmax.f32 v11, $0.0e+00  }
0xa9: {  	v13 =	vadd.s32 s5, v13;
	v11 =	vld [tilespmem:s10+$0xFFFFFF90];
	[tilespmem:s26+$0x20] =	vst v10  }
0xaa: {  	v14 =	vld [tilespmem:s21+$0x30]  }
0xab: {  	v8 =	vmax.f32 v8, $0.0e+00;
	v10 =	vld.idx.msk [tilespmem:v7+s3+$0x0], $0xffff  }
0xac: {  	[tilespmem:s6+$0xFFFFFFB0] =	vst v8;
	v17 =	vld.idx.msk [tilespmem:v6+s3+$0x0], $0xffff;
	v16 =	vadd.s32 s24, v9  }
0xad: {  	v6 =	vmax.f32 v12, $0.0e+00;
	v9 =	vld [tilespmem:s15+$0xFFFFFFC0]  }
0xae: {  	v5 =	vmax.f32 v5, $0.0e+00;
	[tilespmem:s6+$0x40] =	vst v6;
	v6 =	vld.idx.msk [tilespmem:v13+s3+$0x0], $0xffff  }
0xaf: {  	[tilespmem:s28+$0xFFFFFFE0] =	vst v5;
	v8 =	vld [tilespmem:s15+$0x50];
	v12 =	vadd.s32 s11, v11;
	v11 =	vadd.s32 s17, v14  }
0xb0: {  	v7 =	vmax.f32 v15, $0.0e+00;
	v5 =	vld [tilespmem:s31+$0xFFFFFFF0]  }
0xb1: {  	s8 =	simm.s32 $0x8;
	s7 =	sadd.s32 $0x100, s10;
	[tilespmem:s28+$0x70] =	vst v7;
	s31 =	smov.u32 s25;
	v7 =	vmax.f32 v17, $0.0e+00;
	v13 =	vld.idx.msk [tilespmem:v16+s3+$0x0], $0xffff  }
.LBB2_7:
0xb2: {  	v14 =	vld [tilespmem:s7+$0x0];
	v10 =	vmax.f32 v10, $0.0e+00;
	v9 =	vadd.s32 s4, v9;
	[tilespmem:s29+$0x60] =	vst v7;
	s9 =	smov.u32 s19;
	s19 =	smov.u32 s15;
	s15 =	smov.u32 s21  }
0xb3: {  	s21 =	smov.u32 s10;
	s10 =	smov.u32 s7;
	[tilespmem:s26+$0xFFFFFFA0] =	vst v10;
	v7 =	vld [tilespmem:s9+$0x70]  }
0xb4: {  	v6 =	vmax.f32 v6, $0.0e+00;
	v10 =	vld.idx.msk [tilespmem:v11+s3+$0x0], $0xffff;
	v8 =	vadd.s32 s20, v8  }
0xb5: {  	s8 =	sadd.s32 $0x2, s8;
	v11 =	vld [tilespmem:s7+$0xFFFFFF80];
	[tilespmem:s29+$0xFFFFFFD0] =	vst v6  }
0xb6: {  	p2 =	slt.u32 s8, $0x2E;
	v6 =	vld.idx.msk [tilespmem:v12+s3+$0x0], $0xffff;
	v12 =	vmax.f32 v13, $0.0e+00;
	v5 =	vadd.s32 s2, v5;
	s2 =	smov.u32 s5;
	s5 =	smov.u32 s4  }
0xb7: {  	s4 =	smov.u32 s16;
	s16 =	smov.u32 s11;
	s11 =	sadd.s32 $0x640, s11;
	[tilespmem:s25+$0x10] =	vst v12;
	v12 =	vld [tilespmem:s15+$0xFFFFFFB0]  }
0xb8: {  	s12 =	sadd.s32 $0x320, s11;
	v13 =	vld [tilespmem:s21+$0x20];
	v7 =	vadd.s32 s18, v7;
	s18 =	smov.u32 s20;
	s20 =	smov.u32 s17  }
0xb9: {  	v14 =	vadd.s32 s12, v14;
	s17 =	smov.u32 s24;
	s24 =	smov.u32 s12;
	v8 =	vld.idx.msk [tilespmem:v8+s3+$0x0], $0xffff  }
0xba: {  	v10 =	vmax.f32 v10, $0.0e+00;
	v11 =	vadd.s32 s11, v11;
	v9 =	vld.idx.msk [tilespmem:v9+s3+$0x0], $0xffff  }
0xbb: {  	[tilespmem:s26+$0x30] =	vst v10;
	v10 =	vld [tilespmem:s9+$0xFFFFFFE0]  }
0xbc: {  	v6 =	vmax.f32 v6, $0.0e+00;
	v12 =	vadd.s32 s4, v12;
	v15 =	vld [tilespmem:s15+$0x40]  }
0xbd: {  	[tilespmem:s25+$0xFFFFFF90] =	vst v6;
	v6 =	vadd.s32 s17, v13;
	v7 =	vld.idx.msk [tilespmem:v7+s3+$0x0], $0xffff  }
0xbe: {  	v13 =	vld.idx.msk [tilespmem:v14+s3+$0x0], $0xffff  }
0xbf: {  	v8 =	vmax.f32 v8, $0.0e+00;
	v11 =	vld.idx.msk [tilespmem:v11+s3+$0x0], $0xffff  }
0xc0: {  	v9 =	vmax.f32 v9, $0.0e+00;
	v14 =	vld [tilespmem:s21+$0xFFFFFFA0];
	[tilespmem:s6+$0x50] =	vst v8;
	v8 =	vadd.s32 s2, v10  }
0xc1: {  	[tilespmem:s6+$0xFFFFFFC0] =	vst v9;
	v9 =	vld [tilespmem:s19+$0x60]  }
0xc2: {  	v10 =	vadd.s32 s20, v15;
	v6 =	vld.idx.msk [tilespmem:v6+s3+$0x0], $0xffff  }
0xc3: {  	v7 =	vmax.f32 v7, $0.0e+00;
	v12 =	vld.idx.msk [tilespmem:v12+s3+$0x0], $0xffff  }
0xc4: {  	s25 =	sadd.s32 $0x100, s25;
	v13 =	vmax.f32 v13, $0.0e+00;
	v15 =	vld [tilespmem:s19+$0xFFFFFFD0];
	[tilespmem:s29+$0x70] =	vst v7  }
0xc5: {  	v7 =	vmax.f32 v11, $0.0e+00;
	[tilespmem:s25+$0x0] =	vst v13;
	v11 =	vadd.s32 s16, v14;
	v8 =	vld.idx.msk [tilespmem:v8+s3+$0x0], $0xffff  }
0xc6: {  	[tilespmem:s25+$0xFFFFFF80] =	vst v7;
	v7 =	vld [tilespmem:s7+$0x10];
	v9 =	vadd.s32 s18, v9  }
0xc7: {  	v13 =	vld.idx.msk [tilespmem:v10+s3+$0x0], $0xffff  }
0xc8: {  	v6 =	vmax.f32 v6, $0.0e+00;
	v14 =	vld [tilespmem:s7+$0xFFFFFF90]  }
0xc9: {  	[tilespmem:s31+$0x20] =	vst v6;
	v6 =	vmax.f32 v12, $0.0e+00;
	v15 =	vadd.s32 s5, v15;
	v5 =	vld.idx.msk [tilespmem:v5+s3+$0x0], $0xffff  }
0xca: {  	v16 =	vld [tilespmem:s21+$0x30];
	[tilespmem:s26+$0xFFFFFFB0] =	vst v6  }
0xcb: {  	v6 =	vmax.f32 v8, $0.0e+00;
	v7 =	vadd.s32 s24, v7;
	v17 =	vld.idx.msk [tilespmem:v9+s3+$0x0], $0xffff  }
0xcc: {  	v10 =	vld.idx.msk [tilespmem:v11+s3+$0x0], $0xffff;
	[tilespmem:s29+$0xFFFFFFE0] =	vst v6  }
.Ltmp4:
0xcd: {  	v6 =	vmax.f32 v13, $0.0e+00;
	v12 =	vadd.s32 s11, v14;
	v9 =	vld [tilespmem:s15+$0xFFFFFFC0];
	(pc) =	sbr.rel @p2 .LBB2_7-.Ltmp4, $4  }
0xce: {  	[tilespmem:s26+$0x40] =	vst v6;
	v6 =	vld.idx.msk [tilespmem:v15+s3+$0x0], $0xffff  }
0xcf: {  	v5 =	vmax.f32 v5, $0.0e+00;
	v11 =	vadd.s32 s17, v16;
	v8 =	vld [tilespmem:s15+$0x50]  }
0xd0: {  	v13 =	vld.idx.msk [tilespmem:v7+s3+$0x0], $0xffff;
	[tilespmem:s28+$0xFFFFFFF0] =	vst v5;
	s28 =	smov.u32 s29;
	s29 =	smov.u32 s6;
	s6 =	smov.u32 s26  }
0xd1: {  	s7 =	sadd.s32 $0x100, s7;
	v7 =	vmax.f32 v17, $0.0e+00;
	s26 =	smov.u32 s31;
	s31 =	smov.u32 s25;
	v5 =	vld [tilespmem:s9+$0xFFFFFFF0]  }
0xd2: {  	_ =	sdelay $0x3  }
0xd3: {  	v12 =	vld.idx.msk [tilespmem:v12+s3+$0x0], $0xffff;
	_ =	sdelay $0x2  }
0xd4: {  	v13 =	vmax.f32 v13, $0.0e+00  }
0xd5: {  	[tilespmem:s25+$0x10] =	vst v13  }
0xd6: {  	v13 =	vld [tilespmem:s10+$0x20];
	v12 =	vmax.f32 v12, $0.0e+00  }
0xd7: {  	[tilespmem:s25+$0xFFFFFF90] =	vst v12  }
0xd8: {  	v12 =	vld [tilespmem:s10+$0xFFFFFFA0];
	_ =	sdelay $0x2  }
0xd9: {  	v13 =	vadd.s32 s24, v13;
	_ =	sdelay $0x1  }
0xda: {  	v12 =	vadd.s32 s11, v12;
	_ =	sdelay $0x2  }
0xdb: {  	v13 =	vld.idx.msk [tilespmem:v13+s3+$0x0], $0xffff;
	_ =	sdelay $0x1  }
0xdc: {  	v12 =	vld.idx.msk [tilespmem:v12+s3+$0x0], $0xffff;
	_ =	sdelay $0x2  }
0xdd: {  	v13 =	vmax.f32 v13, $0.0e+00  }
0xde: {  	v10 =	vmax.f32 v10, $0.0e+00;
	[tilespmem:s31+$0x20] =	vst v13  }
0xdf: {  	[tilespmem:s26+$0xFFFFFFA0] =	vst v10;
	v48 =	vld [tilespmem:s10+$0x30];
	v12 =	vmax.f32 v12, $0.0e+00  }
0xe0: {  	v49 =	vld [tilespmem:s21+$0xFFFFFFB0];
	[tilespmem:s31+$0xFFFFFFA0] =	vst v12  }
0xe1: {  	v12 =	vld [tilespmem:s10+$0xFFFFFFB0];
	_ =	sdelay $0x2  }
0xe2: {  	v10 =	vadd.s32 s24, v48  }
0xe3: {  	v13 =	vadd.s32 s16, v49  }
0xe4: {  	v12 =	vadd.s32 s11, v12  }
0xe5: {  	v11 =	vld.idx.msk [tilespmem:v11+s3+$0x0], $0xffff;
	_ =	sdelay $0x1  }
0xe6: {  	v10 =	vld.idx.msk [tilespmem:v10+s3+$0x0], $0xffff  }
0xe7: {  	v13 =	vld.idx.msk [tilespmem:v13+s3+$0x0], $0xffff  }
0xe8: {  	v12 =	vld.idx.msk [tilespmem:v12+s3+$0x0], $0xffff  }
0xe9: {  	v11 =	vmax.f32 v11, $0.0e+00  }
0xea: {  	[tilespmem:s26+$0x30] =	vst v11  }
0xeb: {  	v11 =	vld [tilespmem:s21+$0x40];
	v10 =	vmax.f32 v10, $0.0e+00  }
0xec: {  	v13 =	vmax.f32 v13, $0.0e+00;
	[tilespmem:s31+$0x30] =	vst v10  }
0xed: {  	[tilespmem:s26+$0xFFFFFFB0] =	vst v13;
	v10 =	vld [tilespmem:s10+$0x40];
	v12 =	vmax.f32 v12, $0.0e+00  }
0xee: {  	v13 =	vld [tilespmem:s21+$0xFFFFFFC0];
	[tilespmem:s31+$0xFFFFFFB0] =	vst v12  }
0xef: {  	v12 =	vld [tilespmem:s10+$0xFFFFFFC0]  }
0xf0: {  	v11 =	vadd.s32 s17, v11  }
0xf1: {  	v9 =	vadd.s32 s4, v9  }
0xf2: {  	v10 =	vadd.s32 s24, v10  }
0xf3: {  	v13 =	vadd.s32 s16, v13  }
0xf4: {  	v12 =	vadd.s32 s11, v12  }
0xf5: {  	v11 =	vld.idx.msk [tilespmem:v11+s3+$0x0], $0xffff  }
0xf6: {  	v8 =	vadd.s32 s20, v8;
	v9 =	vld.idx.msk [tilespmem:v9+s3+$0x0], $0xffff  }
0xf7: {  	v10 =	vld.idx.msk [tilespmem:v10+s3+$0x0], $0xffff  }
0xf8: {  	v13 =	vld.idx.msk [tilespmem:v13+s3+$0x0], $0xffff  }
0xf9: {  	v12 =	vld.idx.msk [tilespmem:v12+s3+$0x0], $0xffff  }
0xfa: {  	v11 =	vmax.f32 v11, $0.0e+00  }
0xfb: {  	v8 =	vld.idx.msk [tilespmem:v8+s3+$0x0], $0xffff;
	v9 =	vmax.f32 v9, $0.0e+00;
	[tilespmem:s26+$0x40] =	vst v11  }
0xfc: {  	[tilespmem:s6+$0xFFFFFFC0] =	vst v9;
	v50 =	vld [tilespmem:s21+$0x50];
	v10 =	vmax.f32 v10, $0.0e+00  }
0xfd: {  	v51 =	vld [tilespmem:s15+$0xFFFFFFD0];
	v13 =	vmax.f32 v13, $0.0e+00;
	[tilespmem:s31+$0x40] =	vst v10  }
0xfe: {  	[tilespmem:s26+$0xFFFFFFC0] =	vst v13;
	v10 =	vld [tilespmem:s10+$0x50];
	v12 =	vmax.f32 v12, $0.0e+00  }
0xff: {  	v13 =	vld [tilespmem:s21+$0xFFFFFFD0];
	[tilespmem:s31+$0xFFFFFFC0] =	vst v12  }
0x100: {  	v8 =	vmax.f32 v8, $0.0e+00;
	v12 =	vld [tilespmem:s10+$0xFFFFFFD0]  }
0x101: {  	v6 =	vmax.f32 v6, $0.0e+00;
	[tilespmem:s6+$0x50] =	vst v8;
	v9 =	vadd.s32 s17, v50  }
0x102: {  	[tilespmem:s29+$0xFFFFFFD0] =	vst v6;
	v6 =	vld [tilespmem:s15+$0x60];
	v11 =	vadd.s32 s4, v51  }
0x103: {  	v10 =	vadd.s32 s24, v10  }
0x104: {  	v13 =	vadd.s32 s16, v13  }
0x105: {  	v12 =	vadd.s32 s11, v12  }
0x106: {  	v9 =	vld.idx.msk [tilespmem:v9+s3+$0x0], $0xffff  }
0x107: {  	v6 =	vadd.s32 s20, v6;
	v11 =	vld.idx.msk [tilespmem:v11+s3+$0x0], $0xffff  }
0x108: {  	v10 =	vld.idx.msk [tilespmem:v10+s3+$0x0], $0xffff  }
0x109: {  	v13 =	vld.idx.msk [tilespmem:v13+s3+$0x0], $0xffff  }
0x10a: {  	v52 =	vld.idx.msk [tilespmem:v12+s3+$0x0], $0xffff  }
0x10b: {  	v53 =	vld [tilespmem:s19+$0xFFFFFFE0];
	v9 =	vmax.f32 v9, $0.0e+00  }
0x10c: {  	v6 =	vld.idx.msk [tilespmem:v6+s3+$0x0], $0xffff;
	v11 =	vmax.f32 v11, $0.0e+00;
	[tilespmem:s26+$0x50] =	vst v9  }
0x10d: {  	[tilespmem:s6+$0xFFFFFFD0] =	vst v11;
	v9 =	vld [tilespmem:s21+$0x60];
	v10 =	vmax.f32 v10, $0.0e+00  }
0x10e: {  	v11 =	vld [tilespmem:s15+$0xFFFFFFE0];
	v13 =	vmax.f32 v13, $0.0e+00;
	[tilespmem:s31+$0x50] =	vst v10  }
0x10f: {  	[tilespmem:s26+$0xFFFFFFD0] =	vst v13;
	v10 =	vld [tilespmem:s10+$0x60];
	v8 =	vmax.f32 v52, $0.0e+00  }
0x110: {  	v13 =	vld [tilespmem:s21+$0xFFFFFFE0];
	[tilespmem:s31+$0xFFFFFFD0] =	vst v8  }
0x111: {  	v54 =	vadd.s32 s5, v53;
	v55 =	vld [tilespmem:s10+$0xFFFFFFE0]  }
0x112: {  	v9 =	vadd.s32 s17, v9  }
0x113: {  	[tilespmem:s29+$0x60] =	vst v7;
	v6 =	vmax.f32 v6, $0.0e+00;
	v7 =	vadd.s32 s4, v11  }
0x114: {  	[tilespmem:s6+$0x60] =	vst v6;
	v10 =	vadd.s32 s24, v10  }
0x115: {  	v57 =	vld [tilespmem:s15+$0x70];
	v13 =	vadd.s32 s16, v13  }
0x116: {  	v8 =	vld.idx.msk [tilespmem:v54+s3+$0x0], $0xffff;
	v12 =	vadd.s32 s11, v55  }
0x117: {  	v9 =	vld.idx.msk [tilespmem:v9+s3+$0x0], $0xffff  }
0x118: {  	v7 =	vld.idx.msk [tilespmem:v7+s3+$0x0], $0xffff  }
0x119: {  	v10 =	vld.idx.msk [tilespmem:v10+s3+$0x0], $0xffff  }
0x11a: {  	v13 =	vld.idx.msk [tilespmem:v13+s3+$0x0], $0xffff  }
0x11b: {  	v8 =	vmax.f32 v8, $0.0e+00;
	v6 =	vld.idx.msk [tilespmem:v12+s3+$0x0], $0xffff  }
0x11c: {  	v56 =	vld [tilespmem:s19+$0x70];
	v9 =	vmax.f32 v9, $0.0e+00;
	[tilespmem:s29+$0xFFFFFFE0] =	vst v8  }
0x11d: {  	v7 =	vmax.f32 v7, $0.0e+00;
	[tilespmem:s26+$0x60] =	vst v9;
	v58 =	vld [tilespmem:s19+$0xFFFFFFF0]  }
0x11e: {  	[tilespmem:s6+$0xFFFFFFE0] =	vst v7;
	v7 =	vld [tilespmem:s21+$0x70];
	v59 =	vmax.f32 v10, $0.0e+00  }
0x11f: {  	v5 =	vadd.s32 s2, v5;
	v61 =	vld [tilespmem:s15+$0xFFFFFFF0];
	v13 =	vmax.f32 v13, $0.0e+00;
	[tilespmem:s31+$0x60] =	vst v59  }
0x120: {  	v8 =	vadd.s32 s20, v57;
	[tilespmem:s26+$0xFFFFFFE0] =	vst v13;
	v9 =	vld [tilespmem:s10+$0x70];
	v6 =	vmax.f32 v6, $0.0e+00  }
0x121: {  	v60 =	vadd.s32 s18, v56;
	v13 =	vld [tilespmem:s21+$0xFFFFFFF0];
	[tilespmem:s31+$0xFFFFFFE0] =	vst v6  }
0x122: {  	v6 =	vadd.s32 s5, v58;
	v62 =	vld [tilespmem:s10+$0xFFFFFFF0]  }
0x123: {  	v7 =	vadd.s32 s17, v7  }
0x124: {  	v5 =	vld.idx.msk [tilespmem:v5+s3+$0x0], $0xffff;
	v11 =	vadd.s32 s4, v61  }
0x125: {  	v8 =	vld.idx.msk [tilespmem:v8+s3+$0x0], $0xffff;
	v9 =	vadd.s32 s24, v9  }
0x126: {  	v10 =	vld.idx.msk [tilespmem:v60+s3+$0x0], $0xffff;
	v13 =	vadd.s32 s16, v13  }
0x127: {  	v6 =	vld.idx.msk [tilespmem:v6+s3+$0x0], $0xffff;
	v12 =	vadd.s32 s11, v62  }
0x128: {  	v7 =	vld.idx.msk [tilespmem:v7+s3+$0x0], $0xffff  }
0x129: {  	v5 =	vmax.f32 v5, $0.0e+00;
	v11 =	vld.idx.msk [tilespmem:v11+s3+$0x0], $0xffff  }
0x12a: {  	[tilespmem:s28+$0xFFFFFFF0] =	vst v5;
	v5 =	vmax.f32 v8, $0.0e+00;
	v9 =	vld.idx.msk [tilespmem:v9+s3+$0x0], $0xffff  }
0x12b: {  	[tilespmem:s6+$0x70] =	vst v5;
	v10 =	vmax.f32 v10, $0.0e+00;
	v63 =	vld.idx.msk [tilespmem:v13+s3+$0x0], $0xffff  }
0x12c: {  	[tilespmem:s29+$0x70] =	vst v10;
	v5 =	vmax.f32 v6, $0.0e+00;
	v6 =	vld.idx.msk [tilespmem:v12+s3+$0x0], $0xffff  }
0x12d: {  	[tilespmem:s29+$0xFFFFFFF0] =	vst v5;
	v5 =	vmax.f32 v7, $0.0e+00  }
0x12e: {  	[tilespmem:s26+$0x70] =	vst v5;
	v5 =	vmax.f32 v11, $0.0e+00  }
0x12f: {  	p2 =	sne.s32 s1, $0x0;
	[tilespmem:s6+$0xFFFFFFF0] =	vst v5;
	v5 =	vmax.f32 v9, $0.0e+00  }
0x130: {  	p3 =	slt.u32 @p2 s0, $0x2;
	[tilespmem:s31+$0x70] =	vst v5;
	v5 =	vmax.f32 v63, $0.0e+00  }
0x131: {  	p3 =	por !p3, !p2;
	s2 =	simm.s32 @p2 $0x400;
	[tilespmem:s26+$0xFFFFFFF0] =	vst v5;
	v5 =	vmax.f32 v6, $0.0e+00  }
0x132: {  	s28 =	sshll.u32 s0, $0x7;
	s4 =	simm.s32 @p2 $0x20000;
	s29 =	rddreg [dreg:$0x8];
	[tilespmem:s31+$0xFFFFFFF0] =	vst v5  }
0x133: {  	s5 =	simm.s32 @p2 $0x18C80;
	s1 =	sadd.s32 s28, s29;
	s6 =	rddreg [dreg:$0x9]  }
0x134: {  	[hbm4b:s1+s2] =	stream.strided.scatter @p2 [tilespmem:s5], [sflag:$0x4], $0x1800, s4, s2, $0x38;
	[tilespmem:$0x1BC08] =	vst v63  }
0x135: {  	s2 =	simm.s32 @!p3 $0x400;
	s4 =	simm.s32 @!p3 $0x20000;
	s5 =	simm.s32 @!p3 $0x15480  }
0x136: {  	[tilespmem:s5], [sflag:$0x2] =	stream.strided.gather @!p3 [hbm4b:s6+s2], $0x1800, s4, s2, $0x38;
	[tilespmem:$0x1BC08] =	vst v63  }
0x137: {  	p3 =	slt.u32 @!p2 s0, $0x2  }
0x138: {  	s2 =	simm.s32 @!p2 $0x400;
	s4 =	simm.s32 @!p2 $0x20000;
	s5 =	simm.s32 @!p2 $0x17080  }
0x139: {  	[hbm4b:s1+s2] =	stream.strided.scatter @!p2 [tilespmem:s5], [sflag:$0x3], $0x1800, s4, s2, $0x38;
	[tilespmem:$0x1BC08] =	vst v63  }
0x13a: {  	s0 =	sadd.s32 $0x1, s0;
	p2 =	por !p3, p2;
	s5 =	rddreg [dreg:$0xa]  }
0x13b: {  	s1 =	simm.s32 @!p2 $0x400;
	s2 =	simm.s32 @!p2 $0x20000;
	s4 =	simm.s32 @!p2 $0x13880  }
0x13c: {  	[tilespmem:s4], [sflag:$0x1] =	stream.strided.gather @!p2 [hbm4b:s5+s1], $0x1800, s2, s1, $0x38;
	[tilespmem:$0x1BC08] =	vst v63  }
0x13d: {  	p2 =	sne.s32 s0, $0x4  }
.Ltmp5:
0x13e: {  	_ = 	snop;
	(pc) =	sbr.rel @p2 .LBB2_2-.Ltmp5, $2  }
0x13f: {  	_ =	sdelay $0x2  }
0x140: {  	p1 =	por !p1, !p1  }
0x141: {  	s0 =	simm.s32 $0x3  }
0x142: {  	_ =	swait.ge [sflag:s0], $0x1800  }
0x143: {  	[sflag:s0] =	ssyncset.done $0x0  }
0x144: {  	s21 =	simm.s32 $0x4;
	[sflag:s0] =	ssyncadd.s32 $0xFFFFE800  }
0x145: {  	_ =	swait.ge [sflag:s21], $0x1800  }
0x146: {  	[sflag:s21] =	ssyncset.done $0x0  }
0x147: {  	s24 =	simm.s32 $0x5;
	[sflag:s21] =	ssyncadd.s32 $0xFFFFE800  }
0x148: {  	_ =	swait.ge [sflag:s24], $0xA280  }
0x149: {  	[sflag:s24] =	ssyncset.done $0x0  }
0x14a: {  	[sflag:s24] =	ssyncadd.s32 $0xFFFF5D80  }
0x14b: {  	[tilespmem:v0+s22+$0x0] =	vst.idx.msk $0xffff, v1  }
0x14c: {  	[tilespmem:v2+s22+$0x0] =	vst.idx.msk $0xffff, v1  }
0x14d: {  	s2 =	simm.s32 $0x400;
	[tilespmem:v3+s22+$0x0] =	vst.idx.msk $0xffff, v1  }
0x14e: {  	s4 =	simm.s32 $0x20000;
	s1 =	simm.s32 $0x13880;
	s25 =	rddreg [dreg:$0xb];
	[tilespmem:v4+s22+$0x0] =	vst.idx.msk $0xf, v1  }
0x14f: {  	[tilespmem:s1], [sflag:$0x1] =	stream.strided.gather [hbm4b:s25+s2], $0x1800, s4, s2, $0x38;
	[tilespmem:$0x1BC08] =	vst v63  }
0x150: {  	s5 =	simm.s32 $0x15080;
	s0 =	simm.s32 $0x0;
	s26 =	sadd.s32 $0x18000, s25  }
0x151: {  	[tilespmem:s5], [sflag:$0x1] =	stream.linear.gather [hbm4b:s26+s0], $0x200, $0x38;
	[tilespmem:$0x1BC08] =	vst v63  }
0x152: {  	s29 =	simm.s32 $0x15480;
	s28 =	rddreg [dreg:$0xc]  }
0x153: {  	[tilespmem:s29], [sflag:$0x2] =	stream.strided.gather [hbm4b:s28+s2], $0x1800, s4, s2, $0x38;
	[tilespmem:$0x1BC08] =	vst v63  }
0x154: {  	s31 =	simm.s32 $0x16C80;
	p1 =	por $0x0, $0x0;
	s1 =	sadd.s32 $0x18000, s28  }
0x155: {  	[tilespmem:s31], [sflag:$0x2] =	stream.linear.gather [hbm4b:s1+s0], $0x200, $0x38;
	[tilespmem:$0x1BC08] =	vst v63  }
.LBB2_10:
0x156: {  	s1 =	sand.u32 $0x1, s0  }
0x157: {  	p2 =	seq.s32 s1, $0x1  }
.Ltmp6:
0x158: {  	_ = 	snop;
	(pc) =	sbr.rel @p2 .LBB2_12-.Ltmp6, $1  }
0x159: {  	_ =	sdelay $0x3  }
0x15a: {  	p2 =	sgt.u32 s0, $0x1  }
.Ltmp7:
0x15b: {  	_ = 	snop;
	(pc) =	sbr.rel @p2 .LBB2_13-.Ltmp7, $4  }
.Ltmp8:
0x15c: {  	_ = 	snop;
	(pc) =	sbr.rel @!p2 .LBB2_14-.Ltmp8, $4  }
0x15d: {  	_ =	swait.ge [sflag:s23], $0x1A00  }
0x15e: {  	[sflag:s23] =	ssyncset.done $0x0  }
0x15f: {  	s2 =	simm.s32 $0x3;
	[sflag:s23] =	ssyncadd.s32 $0xFFFFE600  }
0x160: {  	_ = 	snop  }
.LBB2_12:
0x161: {  	p2 =	slt.u32 s0, $0x2  }
.Ltmp9:
0x162: {  	_ = 	snop;
	(pc) =	sbr.rel @p2 .LBB2_14-.Ltmp9, $4  }
0x163: {  	_ = 	snop  }
0x164: {  	_ =	swait.ge [sflag:s30], $0x1A00  }
0x165: {  	[sflag:s30] =	ssyncset.done $0x0  }
0x166: {  	s2 =	simm.s32 $0x4;
	[sflag:s30] =	ssyncadd.s32 $0xFFFFE600  }
.LBB2_13:
0x167: {  	_ =	swait.ge [sflag:s2], $0x1A00  }
0x168: {  	[sflag:s2] =	ssyncset.done $0x0  }
0x169: {  	[sflag:s2] =	ssyncadd.s32 $0xFFFFE600  }
.LBB2_14:
0x16a: {  	s2 =	simm.s32 $0x1  }
0x16b: {  	s2 =	simm.s32 @!p1 $0x0  }
0x16c: {  	s2 =	smul.u32 $0x7000, s2;
	_ =	sdelay $0x1  }
0x16d: {  	s2 =	sshrl.u32 s2, $0x2  }
0x16e: {  	s25 =	sadd.s32 $0x13900, s2  }
0x16f: {  	v5 =	vld [tilespmem:s25+$0x0];
	_ =	sdelay $0x3  }
0x170: {  	s11 =	simm.s32 $0x320  }
0x171: {  	v5 =	vadd.s32 s11, v5;
	_ =	sdelay $0x4  }
0x172: {  	v5 =	vld.idx.msk [tilespmem:v5+s22+$0x0], $0xffff;
	_ =	sdelay $0x4  }
0x173: {  	s28 =	sadd.s32 $0x17100, s2;
	v5 =	vmax.f32 v5, $0.0e+00  }
0x174: {  	v6 =	vld [tilespmem:s25+$0xFFFFFF80];
	[tilespmem:s28+$0x0] =	vst v5  }
0x175: {  	v5 =	vld [tilespmem:s25+$0x10];
	_ =	sdelay $0x2  }
0x176: {  	s2 =	simm.s32 $0x0  }
0x177: {  	v6 =	vadd.s32 s2, v6  }
0x178: {  	v5 =	vadd.s32 s11, v5;
	_ =	sdelay $0x3  }
0x179: {  	v6 =	vld.idx.msk [tilespmem:v6+s22+$0x0], $0xffff  }
0x17a: {  	s19 =	sadd.s32 $0x100, s25;
	v5 =	vld.idx.msk [tilespmem:v5+s22+$0x0], $0xffff  }
0x17b: {  	v7 =	vld [tilespmem:s19+$0x0];
	_ =	sdelay $0x2  }
0x17c: {  	v6 =	vmax.f32 v6, $0.0e+00  }
0x17d: {  	s18 =	simm.s32 $0x960;
	[tilespmem:s28+$0xFFFFFF80] =	vst v6;
	v5 =	vmax.f32 v5, $0.0e+00  }
0x17e: {  	v7 =	vadd.s32 s18, v7;
	v6 =	vld [tilespmem:s25+$0xFFFFFF90];
	[tilespmem:s28+$0x10] =	vst v5  }
0x17f: {  	v5 =	vld [tilespmem:s25+$0x20];
	_ =	sdelay $0x3  }
0x180: {  	v7 =	vld.idx.msk [tilespmem:v7+s22+$0x0], $0xffff;
	v6 =	vadd.s32 s2, v6  }
0x181: {  	v8 =	vld [tilespmem:s19+$0xFFFFFF80];
	v5 =	vadd.s32 s11, v5;
	_ =	sdelay $0x3  }
0x182: {  	s5 =	simm.s32 $0x640;
	s29 =	sadd.s32 $0x100, s28;
	v7 =	vmax.f32 v7, $0.0e+00;
	v6 =	vld.idx.msk [tilespmem:v6+s22+$0x0], $0xffff  }
0x183: {  	v8 =	vadd.s32 s5, v8;
	[tilespmem:s29+$0x0] =	vst v7;
	v5 =	vld.idx.msk [tilespmem:v5+s22+$0x0], $0xffff  }
0x184: {  	v7 =	vld [tilespmem:s19+$0x10];
	_ =	sdelay $0x2  }
0x185: {  	v6 =	vmax.f32 v6, $0.0e+00  }
0x186: {  	[tilespmem:s28+$0xFFFFFF90] =	vst v6;
	v6 =	vld.idx.msk [tilespmem:v8+s22+$0x0], $0xffff;
	v5 =	vmax.f32 v5, $0.0e+00  }
0x187: {  	v7 =	vadd.s32 s18, v7;
	v8 =	vld [tilespmem:s25+$0xFFFFFFA0];
	[tilespmem:s28+$0x20] =	vst v5  }
0x188: {  	v5 =	vld [tilespmem:s25+$0x30];
	_ =	sdelay $0x3  }
0x189: {  	s15 =	sadd.s32 $0x100, s19;
	v7 =	vld.idx.msk [tilespmem:v7+s22+$0x0], $0xffff;
	v6 =	vmax.f32 v6, $0.0e+00;
	v8 =	vadd.s32 s2, v8  }
0x18a: {  	[tilespmem:s29+$0xFFFFFF80] =	vst v6;
	v6 =	vld [tilespmem:s15+$0x0];
	v5 =	vadd.s32 s11, v5  }
0x18b: {  	v9 =	vld [tilespmem:s19+$0xFFFFFF90];
	_ =	sdelay $0x2  }
0x18c: {  	s20 =	simm.s32 $0xFA0;
	v7 =	vmax.f32 v7, $0.0e+00;
	v8 =	vld.idx.msk [tilespmem:v8+s22+$0x0], $0xffff  }
0x18d: {  	[tilespmem:s29+$0x10] =	vst v7;
	v6 =	vadd.s32 s20, v6;
	v5 =	vld.idx.msk [tilespmem:v5+s22+$0x0], $0xffff  }
0x18e: {  	v7 =	vld [tilespmem:s19+$0x20];
	v9 =	vadd.s32 s5, v9  }
0x18f: {  	v10 =	vld [tilespmem:s15+$0xFFFFFF80];
	_ =	sdelay $0x1  }
0x190: {  	v8 =	vmax.f32 v8, $0.0e+00  }
0x191: {  	v6 =	vld.idx.msk [tilespmem:v6+s22+$0x0], $0xffff;
	[tilespmem:s28+$0xFFFFFFA0] =	vst v8;
	v5 =	vmax.f32 v5, $0.0e+00  }
0x192: {  	s4 =	simm.s32 $0xC80;
	v7 =	vadd.s32 s18, v7;
	v8 =	vld.idx.msk [tilespmem:v9+s22+$0x0], $0xffff;
	[tilespmem:s28+$0x30] =	vst v5  }
0x193: {  	v9 =	vadd.s32 s4, v10;
	v5 =	vld [tilespmem:s25+$0x40];
	_ =	sdelay $0x1  }
0x194: {  	v10 =	vld [tilespmem:s25+$0xFFFFFFB0];
	_ =	sdelay $0x1  }
0x195: {  	s6 =	sadd.s32 $0x100, s29;
	v7 =	vld.idx.msk [tilespmem:v7+s22+$0x0], $0xffff;
	v6 =	vmax.f32 v6, $0.0e+00  }
0x196: {  	v8 =	vmax.f32 v8, $0.0e+00;
	v9 =	vld.idx.msk [tilespmem:v9+s22+$0x0], $0xffff;
	[tilespmem:s6+$0x0] =	vst v6;
	v5 =	vadd.s32 s11, v5  }
0x197: {  	[tilespmem:s29+$0xFFFFFF90] =	vst v8;
	v8 =	vld [tilespmem:s15+$0x10]  }
0x198: {  	v6 =	vadd.s32 s2, v10  }
0x199: {  	v10 =	vld [tilespmem:s19+$0xFFFFFFA0]  }
0x19a: {  	v7 =	vmax.f32 v7, $0.0e+00  }
0x19b: {  	[tilespmem:s29+$0x20] =	vst v7;
	v7 =	vmax.f32 v9, $0.0e+00;
	v5 =	vld.idx.msk [tilespmem:v5+s22+$0x0], $0xffff  }
0x19c: {  	v9 =	vld [tilespmem:s19+$0x30];
	[tilespmem:s6+$0xFFFFFF80] =	vst v7;
	v7 =	vadd.s32 s20, v8  }
0x19d: {  	v6 =	vld.idx.msk [tilespmem:v6+s22+$0x0], $0xffff  }
0x19e: {  	v8 =	vadd.s32 s5, v10  }
0x19f: {  	s21 =	sadd.s32 $0x100, s15;
	v10 =	vld [tilespmem:s15+$0xFFFFFF90]  }
0x1a0: {  	v12 =	vld [tilespmem:s21+$0xFFFFFF80];
	v5 =	vmax.f32 v5, $0.0e+00  }
0x1a1: {  	v7 =	vld.idx.msk [tilespmem:v7+s22+$0x0], $0xffff;
	[tilespmem:s28+$0x40] =	vst v5  }
0x1a2: {  	v6 =	vmax.f32 v6, $0.0e+00;
	v5 =	vadd.s32 s18, v9;
	v9 =	vld [tilespmem:s25+$0x50]  }
0x1a3: {  	[tilespmem:s28+$0xFFFFFFB0] =	vst v6;
	v6 =	vld.idx.msk [tilespmem:v8+s22+$0x0], $0xffff  }
0x1a4: {  	v8 =	vadd.s32 s4, v10;
	v10 =	vld [tilespmem:s25+$0xFFFFFFC0];
	_ =	sdelay $0x1  }
0x1a5: {  	v11 =	vld [tilespmem:s21+$0x0]  }
0x1a6: {  	s16 =	simm.s32 $0x12C0;
	v9 =	vadd.s32 s11, v9  }
0x1a7: {  	v12 =	vadd.s32 s16, v12;
	v7 =	vmax.f32 v7, $0.0e+00;
	v5 =	vld.idx.msk [tilespmem:v5+s22+$0x0], $0xffff  }
0x1a8: {  	v6 =	vmax.f32 v6, $0.0e+00;
	v8 =	vld.idx.msk [tilespmem:v8+s22+$0x0], $0xffff;
	[tilespmem:s6+$0x10] =	vst v7;
	v7 =	vadd.s32 s2, v10  }
0x1a9: {  	s17 =	simm.s32 $0x15E0;
	[tilespmem:s29+$0xFFFFFFA0] =	vst v6;
	v6 =	vld [tilespmem:s15+$0x20]  }
0x1aa: {  	v11 =	vadd.s32 s17, v11;
	v10 =	vld [tilespmem:s19+$0xFFFFFFB0]  }
0x1ab: {  	v9 =	vld.idx.msk [tilespmem:v9+s22+$0x0], $0xffff  }
0x1ac: {  	v12 =	vld.idx.msk [tilespmem:v12+s22+$0x0], $0xffff;
	v5 =	vmax.f32 v5, $0.0e+00  }
0x1ad: {  	v7 =	vld.idx.msk [tilespmem:v7+s22+$0x0], $0xffff;
	[tilespmem:s29+$0x30] =	vst v5  }
0x1ae: {  	v8 =	vmax.f32 v8, $0.0e+00;
	v6 =	vadd.s32 s20, v6;
	v5 =	vld [tilespmem:s19+$0x40]  }
0x1af: {  	[tilespmem:s6+$0xFFFFFF90] =	vst v8;
	v8 =	vld.idx.msk [tilespmem:v11+s22+$0x0], $0xffff  }
0x1b0: {  	v10 =	vadd.s32 s5, v10;
	v9 =	vmax.f32 v9, $0.0e+00  }
0x1b1: {  	v11 =	vld [tilespmem:s15+$0xFFFFFFA0];
	[tilespmem:s28+$0x50] =	vst v9  }
0x1b2: {  	s26 =	sadd.s32 $0x100, s6;
	v12 =	vmax.f32 v12, $0.0e+00;
	v9 =	vld [tilespmem:s25+$0x60]  }
0x1b3: {  	[tilespmem:s26+$0xFFFFFF80] =	vst v12;
	v6 =	vld.idx.msk [tilespmem:v6+s22+$0x0], $0xffff;
	v7 =	vmax.f32 v7, $0.0e+00;
	v5 =	vadd.s32 s18, v5  }
0x1b4: {  	v12 =	vld [tilespmem:s21+$0xFFFFFF90];
	v8 =	vmax.f32 v8, $0.0e+00;
	[tilespmem:s28+$0xFFFFFFC0] =	vst v7  }
0x1b5: {  	v7 =	vld.idx.msk [tilespmem:v10+s22+$0x0], $0xffff;
	[tilespmem:s26+$0x0] =	vst v8  }
0x1b6: {  	v11 =	vadd.s32 s4, v11;
	v8 =	vld [tilespmem:s21+$0x10]  }
0x1b7: {  	v10 =	vld [tilespmem:s25+$0xFFFFFFD0];
	v9 =	vadd.s32 s11, v9  }
0x1b8: {  	v6 =	vmax.f32 v6, $0.0e+00;
	v5 =	vld.idx.msk [tilespmem:v5+s22+$0x0], $0xffff  }
0x1b9: {  	[tilespmem:s6+$0x20] =	vst v6  }
0x1ba: {  	v7 =	vmax.f32 v7, $0.0e+00;
	v6 =	vld [tilespmem:s15+$0x30]  }
0x1bb: {  	v8 =	vadd.s32 s17, v8;
	[tilespmem:s29+$0xFFFFFFB0] =	vst v7;
	v7 =	vld.idx.msk [tilespmem:v11+s22+$0x0], $0xffff  }
0x1bc: {  	s10 =	sadd.s32 $0x100, s21;
	v10 =	vadd.s32 s2, v10;
	v9 =	vld.idx.msk [tilespmem:v9+s22+$0x0], $0xffff  }
0x1bd: {  	v13 =	vld [tilespmem:s10+$0x0];
	v12 =	vadd.s32 s16, v12;
	v5 =	vmax.f32 v5, $0.0e+00  }
0x1be: {  	v11 =	vld [tilespmem:s19+$0xFFFFFFC0];
	[tilespmem:s29+$0x40] =	vst v5  }
0x1bf: {  	v5 =	vadd.s32 s20, v6;
	v6 =	vld [tilespmem:s19+$0x50]  }
0x1c0: {  	v8 =	vld.idx.msk [tilespmem:v8+s22+$0x0], $0xffff;
	v7 =	vmax.f32 v7, $0.0e+00  }
0x1c1: {  	v10 =	vld.idx.msk [tilespmem:v10+s22+$0x0], $0xffff;
	[tilespmem:s6+$0xFFFFFFA0] =	vst v7;
	v9 =	vmax.f32 v9, $0.0e+00  }
0x1c2: {  	v7 =	vld.idx.msk [tilespmem:v12+s22+$0x0], $0xffff;
	[tilespmem:s28+$0x60] =	vst v9  }
0x1c3: {  	v11 =	vadd.s32 s5, v11;
	v9 =	vld [tilespmem:s25+$0x70]  }
0x1c4: {  	v5 =	vld.idx.msk [tilespmem:v5+s22+$0x0], $0xffff;
	v6 =	vadd.s32 s18, v6  }
0x1c5: {  	v14 =	vld [tilespmem:s10+$0xFFFFFF80];
	v8 =	vmax.f32 v8, $0.0e+00  }
0x1c6: {  	[tilespmem:s26+$0x10] =	vst v8;
	v8 =	vld [tilespmem:s15+$0xFFFFFFB0]  }
0x1c7: {  	v10 =	vmax.f32 v10, $0.0e+00;
	v12 =	vld [tilespmem:s21+$0x20]  }
0x1c8: {  	s24 =	simm.s32 $0x1C20;
	[tilespmem:s28+$0xFFFFFFD0] =	vst v10;
	v11 =	vld.idx.msk [tilespmem:v11+s22+$0x0], $0xffff;
	v7 =	vmax.f32 v7, $0.0e+00;
	v9 =	vadd.s32 s11, v9  }
0x1c9: {  	v13 =	vadd.s32 s24, v13;
	[tilespmem:s26+$0xFFFFFF90] =	vst v7;
	v5 =	vmax.f32 v5, $0.0e+00;
	v6 =	vld.idx.msk [tilespmem:v6+s22+$0x0], $0xffff;
	s11 =	simm.s32 $0x1900  }
0x1ca: {  	[tilespmem:s6+$0x30] =	vst v5;
	v5 =	vld [tilespmem:s25+$0xFFFFFFE0];
	v10 =	vadd.s32 s11, v14  }
0x1cb: {  	v7 =	vld [tilespmem:s21+$0xFFFFFFA0]  }
0x1cc: {  	v12 =	vadd.s32 s17, v12;
	v14 =	vld [tilespmem:s15+$0x40]  }
0x1cd: {  	v15 =	vld.idx.msk [tilespmem:v9+s22+$0x0], $0xffff  }
0x1ce: {  	v8 =	vadd.s32 s4, v8;
	v6 =	vmax.f32 v6, $0.0e+00;
	v9 =	vld.idx.msk [tilespmem:v13+s22+$0x0], $0xffff  }
0x1cf: {  	v5 =	vadd.s32 s2, v5;
	[tilespmem:s29+$0x50] =	vst v6;
	v10 =	vld.idx.msk [tilespmem:v10+s22+$0x0], $0xffff  }
0x1d0: {  	v11 =	vmax.f32 v11, $0.0e+00;
	v6 =	vld [tilespmem:s19+$0x60]  }
0x1d1: {  	[tilespmem:s29+$0xFFFFFFC0] =	vst v11;
	v11 =	vld.idx.msk [tilespmem:v12+s22+$0x0], $0xffff;
	v12 =	vadd.s32 s20, v14  }
0x1d2: {  	v13 =	vld [tilespmem:s19+$0xFFFFFFD0]  }
0x1d3: {  	s31 =	sadd.s32 $0x100, s26;
	v8 =	vld.idx.msk [tilespmem:v8+s22+$0x0], $0xffff;
	v9 =	vmax.f32 v9, $0.0e+00  }
0x1d4: {  	v7 =	vadd.s32 s16, v7;
	v5 =	vld.idx.msk [tilespmem:v5+s22+$0x0], $0xffff;
	[tilespmem:s31+$0x0] =	vst v9  }
0x1d5: {  	v6 =	vadd.s32 s18, v6;
	v10 =	vmax.f32 v10, $0.0e+00;
	v9 =	vld [tilespmem:s10+$0x10]  }
0x1d6: {  	v12 =	vld.idx.msk [tilespmem:v12+s22+$0x0], $0xffff;
	[tilespmem:s31+$0xFFFFFF80] =	vst v10;
	v10 =	vmax.f32 v11, $0.0e+00  }
0x1d7: {  	v13 =	vadd.s32 s5, v13;
	v11 =	vld [tilespmem:s10+$0xFFFFFF90];
	[tilespmem:s26+$0x20] =	vst v10  }
0x1d8: {  	v14 =	vld [tilespmem:s21+$0x30]  }
0x1d9: {  	v8 =	vmax.f32 v8, $0.0e+00;
	v10 =	vld.idx.msk [tilespmem:v7+s22+$0x0], $0xffff  }
0x1da: {  	[tilespmem:s6+$0xFFFFFFB0] =	vst v8;
	v17 =	vld.idx.msk [tilespmem:v6+s22+$0x0], $0xffff;
	v16 =	vadd.s32 s24, v9  }
0x1db: {  	v6 =	vmax.f32 v12, $0.0e+00;
	v9 =	vld [tilespmem:s15+$0xFFFFFFC0]  }
0x1dc: {  	v5 =	vmax.f32 v5, $0.0e+00;
	[tilespmem:s6+$0x40] =	vst v6;
	v6 =	vld.idx.msk [tilespmem:v13+s22+$0x0], $0xffff  }
0x1dd: {  	[tilespmem:s28+$0xFFFFFFE0] =	vst v5;
	v8 =	vld [tilespmem:s15+$0x50];
	v12 =	vadd.s32 s11, v11;
	v11 =	vadd.s32 s17, v14  }
0x1de: {  	v7 =	vmax.f32 v15, $0.0e+00;
	v5 =	vld [tilespmem:s25+$0xFFFFFFF0]  }
0x1df: {  	s8 =	simm.s32 $0x8;
	s7 =	sadd.s32 $0x100, s10;
	[tilespmem:s28+$0x70] =	vst v7;
	s25 =	smov.u32 s31;
	v7 =	vmax.f32 v17, $0.0e+00;
	v13 =	vld.idx.msk [tilespmem:v16+s22+$0x0], $0xffff  }
.LBB2_15:
0x1e0: {  	v14 =	vld [tilespmem:s7+$0x0];
	v10 =	vmax.f32 v10, $0.0e+00;
	v9 =	vadd.s32 s4, v9;
	[tilespmem:s29+$0x60] =	vst v7;
	s9 =	smov.u32 s19;
	s19 =	smov.u32 s15;
	s15 =	smov.u32 s21  }
0x1e1: {  	s21 =	smov.u32 s10;
	s10 =	smov.u32 s7;
	[tilespmem:s26+$0xFFFFFFA0] =	vst v10;
	v7 =	vld [tilespmem:s9+$0x70]  }
0x1e2: {  	v6 =	vmax.f32 v6, $0.0e+00;
	v10 =	vld.idx.msk [tilespmem:v11+s22+$0x0], $0xffff;
	v8 =	vadd.s32 s20, v8  }
0x1e3: {  	s8 =	sadd.s32 $0x2, s8;
	v11 =	vld [tilespmem:s7+$0xFFFFFF80];
	[tilespmem:s29+$0xFFFFFFD0] =	vst v6  }
0x1e4: {  	p2 =	slt.u32 s8, $0x32;
	v6 =	vld.idx.msk [tilespmem:v12+s22+$0x0], $0xffff;
	v12 =	vmax.f32 v13, $0.0e+00;
	v5 =	vadd.s32 s2, v5;
	s2 =	smov.u32 s5;
	s5 =	smov.u32 s4  }
0x1e5: {  	s4 =	smov.u32 s16;
	s16 =	smov.u32 s11;
	s11 =	sadd.s32 $0x640, s11;
	[tilespmem:s31+$0x10] =	vst v12;
	v12 =	vld [tilespmem:s15+$0xFFFFFFB0]  }
0x1e6: {  	s12 =	sadd.s32 $0x320, s11;
	v13 =	vld [tilespmem:s21+$0x20];
	v7 =	vadd.s32 s18, v7;
	s18 =	smov.u32 s20;
	s20 =	smov.u32 s17  }
0x1e7: {  	v14 =	vadd.s32 s12, v14;
	s17 =	smov.u32 s24;
	s24 =	smov.u32 s12;
	v8 =	vld.idx.msk [tilespmem:v8+s22+$0x0], $0xffff  }
0x1e8: {  	v10 =	vmax.f32 v10, $0.0e+00;
	v11 =	vadd.s32 s11, v11;
	v9 =	vld.idx.msk [tilespmem:v9+s22+$0x0], $0xffff  }
0x1e9: {  	[tilespmem:s26+$0x30] =	vst v10;
	v10 =	vld [tilespmem:s9+$0xFFFFFFE0]  }
0x1ea: {  	v6 =	vmax.f32 v6, $0.0e+00;
	v12 =	vadd.s32 s4, v12;
	v15 =	vld [tilespmem:s15+$0x40]  }
0x1eb: {  	[tilespmem:s31+$0xFFFFFF90] =	vst v6;
	v6 =	vadd.s32 s17, v13;
	v7 =	vld.idx.msk [tilespmem:v7+s22+$0x0], $0xffff  }
0x1ec: {  	v13 =	vld.idx.msk [tilespmem:v14+s22+$0x0], $0xffff  }
0x1ed: {  	v8 =	vmax.f32 v8, $0.0e+00;
	v11 =	vld.idx.msk [tilespmem:v11+s22+$0x0], $0xffff  }
0x1ee: {  	v9 =	vmax.f32 v9, $0.0e+00;
	v14 =	vld [tilespmem:s21+$0xFFFFFFA0];
	[tilespmem:s6+$0x50] =	vst v8;
	v8 =	vadd.s32 s2, v10  }
0x1ef: {  	[tilespmem:s6+$0xFFFFFFC0] =	vst v9;
	v9 =	vld [tilespmem:s19+$0x60]  }
0x1f0: {  	v10 =	vadd.s32 s20, v15;
	v6 =	vld.idx.msk [tilespmem:v6+s22+$0x0], $0xffff  }
0x1f1: {  	v7 =	vmax.f32 v7, $0.0e+00;
	v12 =	vld.idx.msk [tilespmem:v12+s22+$0x0], $0xffff  }
0x1f2: {  	s31 =	sadd.s32 $0x100, s31;
	v13 =	vmax.f32 v13, $0.0e+00;
	v15 =	vld [tilespmem:s19+$0xFFFFFFD0];
	[tilespmem:s29+$0x70] =	vst v7  }
0x1f3: {  	v7 =	vmax.f32 v11, $0.0e+00;
	[tilespmem:s31+$0x0] =	vst v13;
	v11 =	vadd.s32 s16, v14;
	v8 =	vld.idx.msk [tilespmem:v8+s22+$0x0], $0xffff  }
0x1f4: {  	[tilespmem:s31+$0xFFFFFF80] =	vst v7;
	v7 =	vld [tilespmem:s7+$0x10];
	v9 =	vadd.s32 s18, v9  }
0x1f5: {  	v13 =	vld.idx.msk [tilespmem:v10+s22+$0x0], $0xffff  }
0x1f6: {  	v6 =	vmax.f32 v6, $0.0e+00;
	v14 =	vld [tilespmem:s7+$0xFFFFFF90]  }
0x1f7: {  	[tilespmem:s25+$0x20] =	vst v6;
	v6 =	vmax.f32 v12, $0.0e+00;
	v15 =	vadd.s32 s5, v15;
	v5 =	vld.idx.msk [tilespmem:v5+s22+$0x0], $0xffff  }
0x1f8: {  	v16 =	vld [tilespmem:s21+$0x30];
	[tilespmem:s26+$0xFFFFFFB0] =	vst v6  }
0x1f9: {  	v6 =	vmax.f32 v8, $0.0e+00;
	v7 =	vadd.s32 s24, v7;
	v17 =	vld.idx.msk [tilespmem:v9+s22+$0x0], $0xffff  }
0x1fa: {  	v10 =	vld.idx.msk [tilespmem:v11+s22+$0x0], $0xffff;
	[tilespmem:s29+$0xFFFFFFE0] =	vst v6  }
.Ltmp10:
0x1fb: {  	v6 =	vmax.f32 v13, $0.0e+00;
	v12 =	vadd.s32 s11, v14;
	v9 =	vld [tilespmem:s15+$0xFFFFFFC0];
	(pc) =	sbr.rel @p2 .LBB2_15-.Ltmp10, $4  }
0x1fc: {  	[tilespmem:s26+$0x40] =	vst v6;
	v6 =	vld.idx.msk [tilespmem:v15+s22+$0x0], $0xffff  }
0x1fd: {  	v5 =	vmax.f32 v5, $0.0e+00;
	v11 =	vadd.s32 s17, v16;
	v8 =	vld [tilespmem:s15+$0x50]  }
0x1fe: {  	v13 =	vld.idx.msk [tilespmem:v7+s22+$0x0], $0xffff;
	[tilespmem:s28+$0xFFFFFFF0] =	vst v5;
	s28 =	smov.u32 s29;
	s29 =	smov.u32 s6;
	s6 =	smov.u32 s26  }
0x1ff: {  	s7 =	sadd.s32 $0x100, s7;
	v7 =	vmax.f32 v17, $0.0e+00;
	s26 =	smov.u32 s25;
	s25 =	smov.u32 s31;
	v5 =	vld [tilespmem:s9+$0xFFFFFFF0]  }
0x200: {  	_ =	sdelay $0x3  }
0x201: {  	v12 =	vld.idx.msk [tilespmem:v12+s22+$0x0], $0xffff;
	_ =	sdelay $0x2  }
0x202: {  	v13 =	vmax.f32 v13, $0.0e+00  }
0x203: {  	[tilespmem:s31+$0x10] =	vst v13  }
0x204: {  	v13 =	vld [tilespmem:s10+$0x20];
	v12 =	vmax.f32 v12, $0.0e+00  }
0x205: {  	[tilespmem:s31+$0xFFFFFF90] =	vst v12  }
0x206: {  	v12 =	vld [tilespmem:s10+$0xFFFFFFA0];
	_ =	sdelay $0x2  }
0x207: {  	v13 =	vadd.s32 s24, v13;
	_ =	sdelay $0x1  }
0x208: {  	v12 =	vadd.s32 s11, v12;
	_ =	sdelay $0x2  }
0x209: {  	v13 =	vld.idx.msk [tilespmem:v13+s22+$0x0], $0xffff;
	_ =	sdelay $0x1  }
0x20a: {  	v12 =	vld.idx.msk [tilespmem:v12+s22+$0x0], $0xffff;
	_ =	sdelay $0x2  }
0x20b: {  	v13 =	vmax.f32 v13, $0.0e+00  }
0x20c: {  	v10 =	vmax.f32 v10, $0.0e+00;
	[tilespmem:s25+$0x20] =	vst v13  }
0x20d: {  	[tilespmem:s26+$0xFFFFFFA0] =	vst v10;
	v48 =	vld [tilespmem:s10+$0x30];
	v12 =	vmax.f32 v12, $0.0e+00  }
0x20e: {  	v49 =	vld [tilespmem:s21+$0xFFFFFFB0];
	[tilespmem:s25+$0xFFFFFFA0] =	vst v12  }
0x20f: {  	v12 =	vld [tilespmem:s10+$0xFFFFFFB0];
	_ =	sdelay $0x2  }
0x210: {  	v10 =	vadd.s32 s24, v48  }
0x211: {  	v13 =	vadd.s32 s16, v49  }
0x212: {  	v12 =	vadd.s32 s11, v12  }
0x213: {  	v11 =	vld.idx.msk [tilespmem:v11+s22+$0x0], $0xffff;
	_ =	sdelay $0x1  }
0x214: {  	v10 =	vld.idx.msk [tilespmem:v10+s22+$0x0], $0xffff  }
0x215: {  	v13 =	vld.idx.msk [tilespmem:v13+s22+$0x0], $0xffff  }
0x216: {  	v12 =	vld.idx.msk [tilespmem:v12+s22+$0x0], $0xffff  }
0x217: {  	v11 =	vmax.f32 v11, $0.0e+00  }
0x218: {  	[tilespmem:s26+$0x30] =	vst v11  }
0x219: {  	v11 =	vld [tilespmem:s21+$0x40];
	v10 =	vmax.f32 v10, $0.0e+00  }
0x21a: {  	v13 =	vmax.f32 v13, $0.0e+00;
	[tilespmem:s25+$0x30] =	vst v10  }
0x21b: {  	[tilespmem:s26+$0xFFFFFFB0] =	vst v13;
	v10 =	vld [tilespmem:s10+$0x40];
	v12 =	vmax.f32 v12, $0.0e+00  }
0x21c: {  	v13 =	vld [tilespmem:s21+$0xFFFFFFC0];
	[tilespmem:s25+$0xFFFFFFB0] =	vst v12  }
0x21d: {  	v12 =	vld [tilespmem:s10+$0xFFFFFFC0]  }
0x21e: {  	v11 =	vadd.s32 s17, v11  }
0x21f: {  	v9 =	vadd.s32 s4, v9  }
0x220: {  	v10 =	vadd.s32 s24, v10  }
0x221: {  	v13 =	vadd.s32 s16, v13  }
0x222: {  	v12 =	vadd.s32 s11, v12  }
0x223: {  	v11 =	vld.idx.msk [tilespmem:v11+s22+$0x0], $0xffff  }
0x224: {  	v8 =	vadd.s32 s20, v8;
	v9 =	vld.idx.msk [tilespmem:v9+s22+$0x0], $0xffff  }
0x225: {  	v10 =	vld.idx.msk [tilespmem:v10+s22+$0x0], $0xffff  }
0x226: {  	v13 =	vld.idx.msk [tilespmem:v13+s22+$0x0], $0xffff  }
0x227: {  	v12 =	vld.idx.msk [tilespmem:v12+s22+$0x0], $0xffff  }
0x228: {  	v11 =	vmax.f32 v11, $0.0e+00  }
0x229: {  	v8 =	vld.idx.msk [tilespmem:v8+s22+$0x0], $0xffff;
	v9 =	vmax.f32 v9, $0.0e+00;
	[tilespmem:s26+$0x40] =	vst v11  }
0x22a: {  	[tilespmem:s6+$0xFFFFFFC0] =	vst v9;
	v50 =	vld [tilespmem:s21+$0x50];
	v10 =	vmax.f32 v10, $0.0e+00  }
0x22b: {  	v51 =	vld [tilespmem:s15+$0xFFFFFFD0];
	v13 =	vmax.f32 v13, $0.0e+00;
	[tilespmem:s25+$0x40] =	vst v10  }
0x22c: {  	[tilespmem:s26+$0xFFFFFFC0] =	vst v13;
	v10 =	vld [tilespmem:s10+$0x50];
	v12 =	vmax.f32 v12, $0.0e+00  }
0x22d: {  	v13 =	vld [tilespmem:s21+$0xFFFFFFD0];
	[tilespmem:s25+$0xFFFFFFC0] =	vst v12  }
0x22e: {  	v8 =	vmax.f32 v8, $0.0e+00;
	v12 =	vld [tilespmem:s10+$0xFFFFFFD0]  }
0x22f: {  	v6 =	vmax.f32 v6, $0.0e+00;
	[tilespmem:s6+$0x50] =	vst v8;
	v9 =	vadd.s32 s17, v50  }
0x230: {  	[tilespmem:s29+$0xFFFFFFD0] =	vst v6;
	v6 =	vld [tilespmem:s15+$0x60];
	v11 =	vadd.s32 s4, v51  }
0x231: {  	v10 =	vadd.s32 s24, v10  }
0x232: {  	v13 =	vadd.s32 s16, v13  }
0x233: {  	v12 =	vadd.s32 s11, v12  }
0x234: {  	v9 =	vld.idx.msk [tilespmem:v9+s22+$0x0], $0xffff  }
0x235: {  	v6 =	vadd.s32 s20, v6;
	v11 =	vld.idx.msk [tilespmem:v11+s22+$0x0], $0xffff  }
0x236: {  	v10 =	vld.idx.msk [tilespmem:v10+s22+$0x0], $0xffff  }
0x237: {  	v13 =	vld.idx.msk [tilespmem:v13+s22+$0x0], $0xffff  }
0x238: {  	v52 =	vld.idx.msk [tilespmem:v12+s22+$0x0], $0xffff  }
0x239: {  	v53 =	vld [tilespmem:s19+$0xFFFFFFE0];
	v9 =	vmax.f32 v9, $0.0e+00  }
0x23a: {  	v6 =	vld.idx.msk [tilespmem:v6+s22+$0x0], $0xffff;
	v11 =	vmax.f32 v11, $0.0e+00;
	[tilespmem:s26+$0x50] =	vst v9  }
0x23b: {  	[tilespmem:s6+$0xFFFFFFD0] =	vst v11;
	v9 =	vld [tilespmem:s21+$0x60];
	v10 =	vmax.f32 v10, $0.0e+00  }
0x23c: {  	v11 =	vld [tilespmem:s15+$0xFFFFFFE0];
	v13 =	vmax.f32 v13, $0.0e+00;
	[tilespmem:s25+$0x50] =	vst v10  }
0x23d: {  	[tilespmem:s26+$0xFFFFFFD0] =	vst v13;
	v10 =	vld [tilespmem:s10+$0x60];
	v8 =	vmax.f32 v52, $0.0e+00  }
0x23e: {  	v13 =	vld [tilespmem:s21+$0xFFFFFFE0];
	[tilespmem:s25+$0xFFFFFFD0] =	vst v8  }
0x23f: {  	v54 =	vadd.s32 s5, v53;
	v55 =	vld [tilespmem:s10+$0xFFFFFFE0]  }
0x240: {  	v9 =	vadd.s32 s17, v9  }
0x241: {  	[tilespmem:s29+$0x60] =	vst v7;
	v6 =	vmax.f32 v6, $0.0e+00;
	v7 =	vadd.s32 s4, v11  }
0x242: {  	[tilespmem:s6+$0x60] =	vst v6;
	v10 =	vadd.s32 s24, v10  }
0x243: {  	v57 =	vld [tilespmem:s15+$0x70];
	v13 =	vadd.s32 s16, v13  }
0x244: {  	v8 =	vld.idx.msk [tilespmem:v54+s22+$0x0], $0xffff;
	v12 =	vadd.s32 s11, v55  }
0x245: {  	v9 =	vld.idx.msk [tilespmem:v9+s22+$0x0], $0xffff  }
0x246: {  	v7 =	vld.idx.msk [tilespmem:v7+s22+$0x0], $0xffff  }
0x247: {  	v10 =	vld.idx.msk [tilespmem:v10+s22+$0x0], $0xffff  }
0x248: {  	v13 =	vld.idx.msk [tilespmem:v13+s22+$0x0], $0xffff  }
0x249: {  	v8 =	vmax.f32 v8, $0.0e+00;
	v6 =	vld.idx.msk [tilespmem:v12+s22+$0x0], $0xffff  }
0x24a: {  	v56 =	vld [tilespmem:s19+$0x70];
	v9 =	vmax.f32 v9, $0.0e+00;
	[tilespmem:s29+$0xFFFFFFE0] =	vst v8  }
0x24b: {  	v7 =	vmax.f32 v7, $0.0e+00;
	[tilespmem:s26+$0x60] =	vst v9;
	v58 =	vld [tilespmem:s19+$0xFFFFFFF0]  }
0x24c: {  	[tilespmem:s6+$0xFFFFFFE0] =	vst v7;
	v7 =	vld [tilespmem:s21+$0x70];
	v59 =	vmax.f32 v10, $0.0e+00  }
0x24d: {  	v5 =	vadd.s32 s2, v5;
	v61 =	vld [tilespmem:s15+$0xFFFFFFF0];
	v13 =	vmax.f32 v13, $0.0e+00;
	[tilespmem:s25+$0x60] =	vst v59  }
0x24e: {  	v8 =	vadd.s32 s20, v57;
	[tilespmem:s26+$0xFFFFFFE0] =	vst v13;
	v9 =	vld [tilespmem:s10+$0x70];
	v6 =	vmax.f32 v6, $0.0e+00  }
0x24f: {  	v60 =	vadd.s32 s18, v56;
	v13 =	vld [tilespmem:s21+$0xFFFFFFF0];
	[tilespmem:s25+$0xFFFFFFE0] =	vst v6  }
0x250: {  	v6 =	vadd.s32 s5, v58;
	v62 =	vld [tilespmem:s10+$0xFFFFFFF0]  }
0x251: {  	v7 =	vadd.s32 s17, v7  }
0x252: {  	v5 =	vld.idx.msk [tilespmem:v5+s22+$0x0], $0xffff;
	v11 =	vadd.s32 s4, v61  }
0x253: {  	v8 =	vld.idx.msk [tilespmem:v8+s22+$0x0], $0xffff;
	v9 =	vadd.s32 s24, v9  }
0x254: {  	v10 =	vld.idx.msk [tilespmem:v60+s22+$0x0], $0xffff;
	v13 =	vadd.s32 s16, v13  }
0x255: {  	v6 =	vld.idx.msk [tilespmem:v6+s22+$0x0], $0xffff;
	v12 =	vadd.s32 s11, v62  }
0x256: {  	v7 =	vld.idx.msk [tilespmem:v7+s22+$0x0], $0xffff  }
0x257: {  	v5 =	vmax.f32 v5, $0.0e+00;
	v11 =	vld.idx.msk [tilespmem:v11+s22+$0x0], $0xffff  }
0x258: {  	[tilespmem:s28+$0xFFFFFFF0] =	vst v5;
	v5 =	vmax.f32 v8, $0.0e+00;
	v9 =	vld.idx.msk [tilespmem:v9+s22+$0x0], $0xffff  }
0x259: {  	[tilespmem:s6+$0x70] =	vst v5;
	v10 =	vmax.f32 v10, $0.0e+00;
	v63 =	vld.idx.msk [tilespmem:v13+s22+$0x0], $0xffff  }
0x25a: {  	[tilespmem:s29+$0x70] =	vst v10;
	v5 =	vmax.f32 v6, $0.0e+00;
	v6 =	vld.idx.msk [tilespmem:v12+s22+$0x0], $0xffff  }
0x25b: {  	[tilespmem:s29+$0xFFFFFFF0] =	vst v5;
	v5 =	vmax.f32 v7, $0.0e+00  }
0x25c: {  	p2 =	sne.s32 s1, $0x0;
	[tilespmem:s26+$0x70] =	vst v5;
	v5 =	vmax.f32 v11, $0.0e+00  }
0x25d: {  	p3 =	slt.u32 @p2 s0, $0x2;
	[tilespmem:s6+$0xFFFFFFF0] =	vst v5;
	v5 =	vmax.f32 v9, $0.0e+00  }
0x25e: {  	p3 =	por !p3, !p2;
	[tilespmem:s25+$0x70] =	vst v5;
	v5 =	vmax.f32 v63, $0.0e+00  }
0x25f: {  	s4 =	simm.s32 @p2 $0x400;
	s29 =	sshll.u32 s0, $0x7;
	s31 =	rddreg [dreg:$0xd];
	[tilespmem:s26+$0xFFFFFFF0] =	vst v5;
	v5 =	vmax.f32 v6, $0.0e+00  }
0x260: {  	s5 =	simm.s32 @p2 $0x20000;
	s6 =	simm.s32 @p2 $0x18C80;
	s2 =	sadd.s32 s29, s31;
	[tilespmem:s25+$0xFFFFFFF0] =	vst v5  }
0x261: {  	[hbm4b:s2+s4] =	stream.strided.scatter @p2 [tilespmem:s6], [sflag:$0x4], $0x1800, s5, s4, $0x38;
	[tilespmem:$0x1BC08] =	vst v63  }
0x262: {  	s1 =	sadd.s32 $0x18000, s2;
	s4 =	simm.s32 @p2 $0x0;
	s5 =	simm.s32 @p2 $0x1A480  }
0x263: {  	[hbm4b:s1+s4] =	stream.linear.scatter @p2 [tilespmem:s5], [sflag:$0x4], $0x200, $0x38;
	[tilespmem:$0x1BC08] =	vst v63  }
0x264: {  	s6 =	simm.s32 @!p3 $0x15480;
	s4 =	simm.s32 @!p3 $0x400;
	s5 =	simm.s32 @!p3 $0x20000  }
0x265: {  	[tilespmem:s6], [sflag:$0x2] =	stream.strided.gather @!p3 [hbm4b:s13+s4], $0x1800, s5, s4, $0x38;
	[tilespmem:$0x1BC08] =	vst v63  }
0x266: {  	s4 =	sadd.s32 @!p3 $0x18000, s13;
	s5 =	simm.s32 @!p3 $0x0;
	s6 =	simm.s32 @!p3 $0x16C80  }
0x267: {  	[tilespmem:s6], [sflag:$0x2] =	stream.linear.gather @!p3 [hbm4b:s4+s5], $0x200, $0x38;
	[tilespmem:$0x1BC08] =	vst v63  }
0x268: {  	s4 =	simm.s32 @!p2 $0x400;
	s5 =	simm.s32 @!p2 $0x20000;
	s6 =	simm.s32 @!p2 $0x17080  }
0x269: {  	[hbm4b:s2+s4] =	stream.strided.scatter @!p2 [tilespmem:s6], [sflag:$0x3], $0x1800, s5, s4, $0x38;
	[tilespmem:$0x1BC08] =	vst v63  }
0x26a: {  	p3 =	slt.u32 @!p2 s0, $0x2;
	s2 =	simm.s32 @!p2 $0x0;
	s4 =	simm.s32 @!p2 $0x18880  }
0x26b: {  	[hbm4b:s1+s2] =	stream.linear.scatter @!p2 [tilespmem:s4], [sflag:$0x3], $0x200, $0x38;
	[tilespmem:$0x1BC08] =	vst v63  }
0x26c: {  	s0 =	sadd.s32 $0x1, s0;
	p2 =	por !p3, p2  }
0x26d: {  	s1 =	simm.s32 @!p2 $0x400;
	s2 =	simm.s32 @!p2 $0x20000;
	s4 =	simm.s32 @!p2 $0x13880  }
0x26e: {  	[tilespmem:s4], [sflag:$0x1] =	stream.strided.gather @!p2 [hbm4b:s14+s1], $0x1800, s2, s1, $0x38;
	[tilespmem:$0x1BC08] =	vst v63  }
0x26f: {  	s1 =	sadd.s32 @!p2 $0x18000, s14;
	s2 =	simm.s32 @!p2 $0x0;
	s4 =	simm.s32 @!p2 $0x15080  }
0x270: {  	[tilespmem:s4], [sflag:$0x1] =	stream.linear.gather @!p2 [hbm4b:s1+s2], $0x200, $0x38;
	[tilespmem:$0x1BC08] =	vst v63  }
0x271: {  	p2 =	sne.s32 s0, $0x4  }
.Ltmp11:
0x272: {  	_ = 	snop;
	(pc) =	sbr.rel @p2 .LBB2_10-.Ltmp11, $2  }
0x273: {  	_ =	sdelay $0x2  }
0x274: {  	p1 =	por !p1, !p1  }
0x275: {  	s0 =	simm.s32 $0x3  }
0x276: {  	_ =	swait.ge [sflag:s0], $0x1A00  }
0x277: {  	[sflag:s0] =	ssyncset.done $0x0  }
0x278: {  	s1 =	simm.s32 $0x4;
	[sflag:s0] =	ssyncadd.s32 $0xFFFFE600  }
0x279: {  	_ =	swait.ge [sflag:s1], $0x1A00  }
0x27a: {  	s2 =	rddreg [dreg:$0x10]  }
0x27b: {  	s31 =	rddreg [dreg:$0xe];
	s2 =	sadd.s32 $0x1, s2  }
0x27c: {  	p1 =	sne.s32 s2, s31  }
.Ltmp12:
0x27d: {  	_ = 	snop;
	(pc) =	sbr.rel @p1 .LBB2_1-.Ltmp12, $3  }
0x27e: {  	_ =	sdelay $0x1  }
0x27f: {  	[sflag:s1] =	ssyncset.done $0x0  }
0x280: {  	[sflag:s1] =	ssyncadd.s32 $0xFFFFE600  }
0x281: {  	_ =	sfence.sel $0x180000  }
0x282: {  	[bflag:$0x0] =	sbarrier.arrive $0xFFFF  }
0x283: {  	_ =	strace $0x90000047  }
0x284: {  	[bflag:$0x2] =	sbarrier.arrive $0xFFFF  }
0x285: {  	s0 =	rddreg [dreg:$0x4]  }
0x286: {  	s0 =	sadd.s32 @!p0 $0x100000, s0  }
0x287: {  	[sflag:s0] =	ssyncadd.tile.s32 @!p0 $0x1;
	_ =	shalt  }
.Lfunc_end2:
_tile_overlayer_lowered:
.L_overlay_start_2:
0x288: {  	(tag) =	ssettag $0x2  }
0x289: {  	s0 =	rddreg [dreg:$0x0];
	s2 =	stileid.u32  }
0x28a: {  	s1 =	rddreg [dreg:$0x1];
	p0 =	sne.s32 s2, $0x0  }
0x28b: {  	s3 =	rddreg [dreg:$0x2];
	[bflag:$0x3] =	sbarrier.arrive $0xFFFF;
	s2 =	simm.s32 @!p0 $0x1C06  }
0x28c: {  	[timem:s3], [sflag:s2] =	dma.local @!p0 [hbm:s0], s1  }
0x28d: {  	s0 =	simm.s32 @!p0 $0x6  }
0x28e: {  	_ =	swait.ge @!p0 [sflag:s0], s1  }
0x28f: {  	s1 =	ssub.s32 @!p0 $0x0, s1;
	[sflag:s0] =	ssyncset.done @!p0 $0x0  }
0x290: {  	[sflag:s0] =	ssyncadd.s32 @!p0 s1  }
0x291: {  	[bflag:$0x3] =	sbarrier.arrive $0xFFFF  }
0x292: {  	_ =	shalt  }

</sc_bundles>
